<compile_context>
chip_gen: v7x
topology: tpu7x:2x2x1
jax: 0.10.2.dev20260603
libtpu: 0.0.44.dev20260713+nightly
codegen_flags: <defaults>
</compile_context>

<pallas_src>
import dataclasses
import functools

import jax
import jax.numpy as jnp
from jax import lax
from jax.experimental import pallas as pl
from jax.experimental.pallas import tpu as pltpu
from jax.experimental.pallas import tpu_sc as plsc

N = 10000
E = 320000
D = 128
NC, NS = 2, 16
NW = NC * NS
CH = 128
NCHUNK = 80
EPT = CH * NCHUNK
E2 = EPT * NW
TRASH = 10000
NP = 10240
RPT = NP // NS


def _zero16():
    return jnp.zeros((16,), jnp.float32)


def _agg_body(with_cnt, *refs):
    if with_cnt:
        (h_hbm, src_hbm, dst_hbm, out_hbm, cnt_hbm,
         srcv0, srcv1, dstv0, dstv1, rows0, rows1, cntbuf,
         acc, gsem0, gsem1, isem0, isem1) = refs
    else:
        (h_hbm, src_hbm, dst_hbm, out_hbm,
         srcv0, srcv1, dstv0, dstv1, rows0, rows1,
         acc, gsem0, gsem1, isem0, isem1) = refs
        cntbuf = cnt_hbm = None
    srcv = (srcv0, srcv1)
    dstv = (dstv0, dstv1)
    rows = (rows0, rows1)
    gsem = (gsem0, gsem1)
    isem = (isem0, isem1)
    cid = lax.axis_index("c")
    sid = lax.axis_index("s")
    wid = cid * NS + sid
    ebase = wid * EPT

    @pl.loop(0, CH)
    def _(r):
        @pl.loop(0, D, step=16)
        def _(c):
            rows0[r, pl.ds(c, 16)] = _zero16()

    if with_cnt:
        @pl.loop(0, NP, step=16)
        def _(j):
            cntbuf[pl.ds(j, 16)] = _zero16()

    for k in range(RPT // CH):
        pltpu.sync_copy(rows0, acc.at[pl.ds(sid * RPT + k * CH, CH)])

    plsc.subcore_barrier()

    ones16 = jnp.ones((16,), jnp.float32)

    def load_idx(i, b):
        pltpu.async_copy(src_hbm.at[pl.ds(ebase + i * CH, CH)], srcv[b],
                         isem[b])
        pltpu.async_copy(dst_hbm.at[pl.ds(ebase + i * CH, CH)], dstv[b],
                         isem[b])

    def wait_idx(i, b):
        pltpu.make_async_copy(src_hbm.at[pl.ds(ebase + i * CH, CH)],
                              srcv[b], isem[b]).wait()
        pltpu.make_async_copy(dst_hbm.at[pl.ds(ebase + i * CH, CH)],
                              dstv[b], isem[b]).wait()

    def issue_gather(b):
        pltpu.async_copy(h_hbm.at[srcv[b]], rows[b], gsem[b])

    def wait_gather(b):
        pltpu.make_async_copy(h_hbm.at[srcv[b]], rows[b], gsem[b]).wait()

    def consume(b):
        pltpu.sync_copy(rows[b], acc.at[dstv[b]], add=True)
        if with_cnt:
            @pl.loop(0, CH, step=16)
            def _(j):
                plsc.addupdate_scatter(cntbuf, [dstv[b][pl.ds(j, 16)]],
                                       ones16)

    load_idx(0, 0)
    load_idx(1, 1)
    wait_idx(0, 0)
    issue_gather(0)

    @pl.loop(0, NCHUNK // 2 - 1)
    def _(g):
        i0 = g * 2
        for b in (0, 1):
            wait_gather(b)
            wait_idx(i0 + b + 1, 1 - b)
            issue_gather(1 - b)
            consume(b)
            load_idx(i0 + b + 2, b)

    wait_gather(0)
    wait_idx(NCHUNK - 1, 1)
    issue_gather(1)
    consume(0)
    wait_gather(1)
    consume(1)

    plsc.subcore_barrier()

    nk = RPT // CH
    for k in range(nk):
        b = k % 2
        r0 = sid * RPT + k * CH
        if k >= 2:
            pr = sid * RPT + (k - 2) * CH
            pltpu.make_async_copy(rows[b], out_hbm.at[cid, pl.ds(pr, CH)],
                                  gsem[b]).wait()
        pltpu.sync_copy(acc.at[pl.ds(r0, CH)], rows[b])
        pltpu.async_copy(rows[b], out_hbm.at[cid, pl.ds(r0, CH)], gsem[b])
    if with_cnt:
        pltpu.sync_copy(cntbuf, cnt_hbm.at[cid, sid])
    for k in range(max(nk - 2, 0), nk):
        b = k % 2
        r0 = sid * RPT + k * CH
        pltpu.make_async_copy(rows[b], out_hbm.at[cid, pl.ds(r0, CH)],
                              gsem[b]).wait()


_SC_MESH = plsc.VectorSubcoreMesh(core_axis_name="c", subcore_axis_name="s")

_SC_CP = pltpu.CompilerParams()
if "needs_layout_passes" in pltpu.CompilerParams.__dataclass_fields__:
    _SC_CP = dataclasses.replace(_SC_CP, needs_layout_passes=False)


def _make_agg(with_cnt):
    out_type = [jax.ShapeDtypeStruct((NC, NP, D), jnp.float32)]
    scratch = [
        pltpu.VMEM((CH,), jnp.int32),
        pltpu.VMEM((CH,), jnp.int32),
        pltpu.VMEM((CH,), jnp.int32),
        pltpu.VMEM((CH,), jnp.int32),
        pltpu.VMEM((CH, D), jnp.float32),
        pltpu.VMEM((CH, D), jnp.float32),
    ]
    if with_cnt:
        out_type.append(jax.ShapeDtypeStruct((NC, NS, NP), jnp.float32))
        scratch.append(pltpu.VMEM((NP,), jnp.float32))
    scratch += [
        pltpu.VMEM_SHARED((NP, D), jnp.float32),
        pltpu.SemaphoreType.DMA,
        pltpu.SemaphoreType.DMA,
        pltpu.SemaphoreType.DMA,
        pltpu.SemaphoreType.DMA,
    ]
    return pl.kernel(
        functools.partial(_agg_body, with_cnt),
        out_type=tuple(out_type) if with_cnt else out_type[0],
        mesh=_SC_MESH,
        scratch_types=scratch,
        compiler_params=_SC_CP,
    )


_agg_cnt = _make_agg(True)
_agg = _make_agg(False)


def _lin0(x, W0, b0):
    def body(x_ref, w_ref, b_ref, o_ref):
        o_ref[...] = (
            jnp.dot(x_ref[...], w_ref[...],
                    preferred_element_type=jnp.float32) + b_ref[...]
        )
    return pl.pallas_call(
        body, out_shape=jax.ShapeDtypeStruct((N, D), jnp.float32),
    )(x, W0, b0)


def _mean_bn_relu(p_ref, h_ref, cp_ref, g, be):
    cnt = jnp.sum(cp_ref[...], axis=(0, 1))[:N] + 1.0
    t = (p_ref[0, :N] + p_ref[1, :N] + h_ref[...]) / cnt[:, None]
    mu = jnp.mean(t, axis=0)
    var = jnp.mean((t - mu) ** 2, axis=0)
    tn = (t - mu) * lax.rsqrt(var + 1e-5) * g + be
    return jnp.maximum(tn, 0.0)


def _mid(p, h0, cp, W1, b1, g0, be0):
    def body(p_ref, h_ref, cp_ref, w_ref, b_ref, g_ref, be_ref, o_ref):
        r = _mean_bn_relu(p_ref, h_ref, cp_ref, g_ref[...], be_ref[...])
        o_ref[...] = (
            jnp.dot(r, w_ref[...], preferred_element_type=jnp.float32)
            + b_ref[...]
        )
    return pl.pallas_call(
        body, out_shape=jax.ShapeDtypeStruct((N, D), jnp.float32),
    )(p, h0, cp, W1, b1, g0, be0)


def _head(q, h1, cp, g1, be1, cW1, cb1, cW2, cb2):
    def body(q_ref, h_ref, cp_ref, g_ref, be_ref, w1_ref, b1_ref,
             w2_ref, b2_ref, o_ref):
        r = _mean_bn_relu(q_ref, h_ref, cp_ref, g_ref[...], be_ref[...])
        z = jnp.maximum(
            jnp.dot(r, w1_ref[...], preferred_element_type=jnp.float32)
            + b1_ref[...], 0.0)
        o_ref[...] = (
            jnp.dot(z, w2_ref[...], preferred_element_type=jnp.float32)
            + b2_ref[...]
        )
    return pl.pallas_call(
        body, out_shape=jax.ShapeDtypeStruct((N, 2), jnp.float32),
    )(q, h1, cp, g1, be1, cW1, cb1, cW2, cb2)


def kernel(x, edge_index, W0, b0, W1, b1, g0, be0, g1, be1,
           cW1, cb1, cW2, cb2):
    ei = edge_index.astype(jnp.int32)
    pad = E2 - E
    pidx = lax.iota(jnp.int32, pad)
    src = jnp.concatenate([ei[0], pidx % N])
    dst = jnp.concatenate([ei[1], TRASH + pidx % (NP - TRASH)])
    h0 = _lin0(x, W0, b0)
    p, cp = _agg_cnt(h0, src, dst)
    h1 = _mid(p, h0, cp, W1, b1, g0, be0)
    q = _agg(h1, src, dst)
    return _head(q, h1, cp, g1, be1, cW1, cb1, cW2, cb2)

# --- scband reference (transcript-rebuilt; emitter-appended) ---
"""Pipeline reference for scband-basic-gnn-82454782148695 (READ-ONLY COPY).

The authoritative reference and input builder live on the scoring server;
editing this copy changes nothing except your own understanding.
"""

import jax, jax.numpy as jnp
import numpy as np

N_NODES = 10000
N_EDGES = 320000
D_IN = 128
D_HID = 128
N_CLASSES = 2


def setup_inputs(seed: int = 0) -> dict:
    key = jax.random.key(seed)
    ks = [jax.random.fold_in(key, i) for i in range(16)]
    inp = {}
    inp['x'] = jax.random.normal(ks[0], (N_NODES, D_IN), dtype=jnp.float32)
    inp['edge_index'] = jax.random.randint(ks[1], (2, N_EDGES), 0, N_NODES, dtype=jnp.int64)
    inp['W0'] = jax.random.normal(ks[2], (D_IN, D_HID), dtype=jnp.float32) * 0.05
    inp['b0'] = jnp.zeros((D_HID,), dtype=jnp.float32)
    inp['W1'] = jax.random.normal(ks[3], (D_HID, D_HID), dtype=jnp.float32) * 0.05
    inp['b1'] = jnp.zeros((D_HID,), dtype=jnp.float32)
    inp['g0'] = jnp.ones((D_HID,), dtype=jnp.float32)
    inp['be0'] = jnp.zeros((D_HID,), dtype=jnp.float32)
    inp['g1'] = jnp.ones((D_HID,), dtype=jnp.float32)
    inp['be1'] = jnp.zeros((D_HID,), dtype=jnp.float32)
    inp['cW1'] = jax.random.normal(ks[4], (D_HID, D_HID // 2), dtype=jnp.float32) * 0.05
    inp['cb1'] = jnp.zeros((D_HID // 2,), dtype=jnp.float32)
    inp['cW2'] = jax.random.normal(ks[5], (D_HID // 2, N_CLASSES), dtype=jnp.float32) * 0.05
    inp['cb2'] = jnp.zeros((N_CLASSES,), dtype=jnp.float32)
    return inp


def _gnn_layer(x, edge_index, W, b):
    # linear first (as in module forward), then mean aggregation with self-loops
    n = x.shape[0]
    h = x @ W + b
    self_idx = jnp.arange(n, dtype=edge_index.dtype)
    src = jnp.concatenate([edge_index[0], self_idx])
    dst = jnp.concatenate([edge_index[1], self_idx])
    msg = h[src]  # gather (SparseCore-friendly)
    agg = jax.ops.segment_sum(msg, dst, num_segments=n)
    cnt = jax.ops.segment_sum(jnp.ones((src.shape[0],), dtype=h.dtype), dst, num_segments=n)
    return agg / jnp.maximum(cnt, 1.0)[:, None]


def _batch_norm(x, gamma, beta, eps=1e-5):
    mean = jnp.mean(x, axis=0)
    var = jnp.mean((x - mean) ** 2, axis=0)  # biased var, torch BN normalization
    return (x - mean) / jnp.sqrt(var + eps) * gamma + beta


def reference(x, edge_index, W0, b0, W1, b1, g0, be0, g1, be1, cW1, cb1, cW2, cb2):
    h = _gnn_layer(x, edge_index, W0, b0)
    h = _batch_norm(h, g0, be0)
    h = jax.nn.relu(h)
    # dropout is identity in deterministic reference (eval)
    h = _gnn_layer(h, edge_index, W1, b1)
    h = _batch_norm(h, g1, be1)
    h = jax.nn.relu(h)
    h = jax.nn.relu(h @ cW1 + cb1)
    logits = h @ cW2 + cb2
    return logits

if __name__ == "__main__":
    import jax
    _d = setup_inputs()
    print(jax.jit(kernel)(*tuple(_d.values())))

</pallas_src>

<mosaic_0001>
#map = affine_map<(d0, d1) -> (0, 0)>
#map1 = affine_map<(d0, d1) -> (0)>
#map2 = affine_map<(d0, d1) -> (0, 0, 0)>
module attributes {stable_mosaic.version = 14 : i64} {
  func.func @_agg_body(%arg0: i32, %arg1: i32, %arg2: memref<10000x128xf32, #tpu.memory_space<hbm>>, %arg3: memref<327680xi32, #tpu.memory_space<hbm>>, %arg4: memref<327680xi32, #tpu.memory_space<hbm>>, %arg5: memref<2x10240x128xf32, #tpu.memory_space<hbm>>, %arg6: memref<128xi32, #tpu.memory_space<vmem>>, %arg7: memref<128xi32, #tpu.memory_space<vmem>>, %arg8: memref<128xi32, #tpu.memory_space<vmem>>, %arg9: memref<128xi32, #tpu.memory_space<vmem>>, %arg10: memref<128x128xf32, #tpu.memory_space<vmem>>, %arg11: memref<128x128xf32, #tpu.memory_space<vmem>>, %arg12: memref<10240x128xf32, #tpu.memory_space<vmem_shared>>, %arg13: memref<!tpu.dma_semaphore, #tpu.memory_space<semaphore_mem>>, %arg14: memref<!tpu.dma_semaphore, #tpu.memory_space<semaphore_mem>>, %arg15: memref<!tpu.dma_semaphore, #tpu.memory_space<semaphore_mem>>, %arg16: memref<!tpu.dma_semaphore, #tpu.memory_space<semaphore_mem>>) attributes {dimension_semantics = [#tpu.dimension_semantics<core_parallel>, #tpu.dimension_semantics<subcore_parallel>], iteration_bounds = array<i64: 2, 16>, scalar_prefetch = 0 : i64, scratch_operands = 11 : i64, tpu.core_type = #tpu.core_type<sc_vector_subcore>, window_params = [{transform_indices = #map}, {transform_indices = #map1}, {transform_indices = #map1}, {transform_indices = #map2}]} {
    %mul3A = arith.constant 16 : i32
    %mul3A_0 = arith.muli %arg0, %mul3A : i32
    %add3A = arith.addi %mul3A_0, %arg1 : i32
    %mul3A_1 = arith.constant 10240 : i32
    %mul3A_2 = arith.muli %add3A, %mul3A_1 : i32
    %scan3A = arith.constant 0 : i32
    %scan3A_3 = arith.constant 128 : i32
    %scan3A_4 = arith.addi %scan3A, %scan3A_3 : i32
    %scan3A_5 = arith.constant 1 : i32
    scf.for %scan3A_176 = %scan3A to %scan3A_4 step %scan3A_5  : i32 {
      %mul3A_177 = arith.constant 1 : i32
      %mul3A_178 = arith.muli %scan3A_176, %mul3A_177 : i32
      %add3A_179 = arith.constant 0 : i32
      %add3A_180 = arith.addi %add3A_179, %mul3A_178 : i32
      %scan3A_181 = arith.constant 0 : i32
      %scan3A_182 = arith.constant 8 : i32
      %scan3A_183 = arith.addi %scan3A_181, %scan3A_182 : i32
      %scan3A_184 = arith.constant 1 : i32
      scf.for %scan3A_186 = %scan3A_181 to %scan3A_183 step %scan3A_184  : i32 {
        %mul3A_187 = arith.constant 16 : i32
        %mul3A_188 = arith.muli %scan3A_186, %mul3A_187 : i32
        %add3A_189 = arith.constant 0 : i32
        %add3A_190 = arith.addi %add3A_189, %mul3A_188 : i32
        %broadcast_in_dim3A_191 = arith.constant 0.000000e+00 : f32
        %broadcast_in_dim3A_192 = vector.broadcast %broadcast_in_dim3A_191 : f32 to vector<16xf32>
        %swap3A = arith.index_cast %add3A_180 : i32 to index
        %swap3A_193 = arith.index_cast %add3A_190 : i32 to index
        %swap3A_194 = tpu.vector_load %arg10[%swap3A, %swap3A_193] {strides = array<i32>} : memref<128x128xf32, #tpu.memory_space<vmem>>, vector<16xf32>,
        tpu.vector_store %arg10[%swap3A, %swap3A_193], %broadcast_in_dim3A_192 {strides = array<i32>} : memref<128x128xf32, #tpu.memory_space<vmem>>, vector<16xf32>,
      }
      %scan3A_185 = arith.constant 8 : i32
    }
    %scan3A_6 = arith.constant 128 : i32
    %mul3A_7 = arith.constant 640 : i32
    %mul3A_8 = arith.muli %arg1, %mul3A_7 : i32
    %add3A_9 = arith.constant 0 : i32
    %add3A_10 = arith.addi %mul3A_8, %add3A_9 : i32
    "tpu.region"() ({
      %run_scoped3A = tpu.sem_alloc : memref<!tpu.dma_semaphore, #tpu.memory_space<semaphore_mem>>
      %dma_start3A_176 = arith.constant 0 : i32
      %dma_start3A_177 = tpu.memref_slice %arg12[%add3A_10, %dma_start3A_176] : memref<10240x128xf32, #tpu.memory_space<vmem_shared>> -> memref<128x128xf32, #tpu.memory_space<vmem_shared>>
      %dma_start3A_178 = arith.constant 0 : i32
      %dma_start3A_179 = tpu.memref_slice %arg12[%add3A_10, %dma_start3A_178] : memref<10240x128xf32, #tpu.memory_space<vmem_shared>> -> memref<128x128xf32, #tpu.memory_space<vmem_shared>>
      tpu.enqueue_dma source(%arg10 : memref<128x128xf32, #tpu.memory_space<vmem>>) target(%dma_start3A_179 : memref<128x128xf32, #tpu.memory_space<vmem_shared>>) target_semaphore(%run_scoped3A : memref<!tpu.dma_semaphore, #tpu.memory_space<semaphore_mem>>)
      %dma_wait3A_180 = arith.constant 0 : i32
      %dma_wait3A_181 = tpu.memref_slice %arg12[%add3A_10, %dma_wait3A_180] : memref<10240x128xf32, #tpu.memory_space<vmem_shared>> -> memref<128x128xf32, #tpu.memory_space<vmem_shared>>
      %dma_wait3A_182 = arith.constant 0 : i32
      %dma_wait3A_183 = tpu.memref_slice %arg12[%add3A_10, %dma_wait3A_182] : memref<10240x128xf32, #tpu.memory_space<vmem_shared>> -> memref<128x128xf32, #tpu.memory_space<vmem_shared>>
      tpu.wait_dma2 semaphore(%run_scoped3A : memref<!tpu.dma_semaphore, #tpu.memory_space<semaphore_mem>>) src(%arg10 : memref<128x128xf32, #tpu.memory_space<vmem>>) dst(%dma_wait3A_183 : memref<128x128xf32, #tpu.memory_space<vmem_shared>>)
      tpu.yield
    }) : () -> ()
    %mul3A_11 = arith.constant 640 : i32
    %mul3A_12 = arith.muli %arg1, %mul3A_11 : i32
    %add3A_13 = arith.constant 128 : i32
    %add3A_14 = arith.addi %mul3A_12, %add3A_13 : i32
    "tpu.region"() ({
      %run_scoped3A = tpu.sem_alloc : memref<!tpu.dma_semaphore, #tpu.memory_space<semaphore_mem>>
      %dma_start3A_176 = arith.constant 0 : i32
      %dma_start3A_177 = tpu.memref_slice %arg12[%add3A_14, %dma_start3A_176] : memref<10240x128xf32, #tpu.memory_space<vmem_shared>> -> memref<128x128xf32, #tpu.memory_space<vmem_shared>>
      %dma_start3A_178 = arith.constant 0 : i32
      %dma_start3A_179 = tpu.memref_slice %arg12[%add3A_14, %dma_start3A_178] : memref<10240x128xf32, #tpu.memory_space<vmem_shared>> -> memref<128x128xf32, #tpu.memory_space<vmem_shared>>
      tpu.enqueue_dma source(%arg10 : memref<128x128xf32, #tpu.memory_space<vmem>>) target(%dma_start3A_179 : memref<128x128xf32, #tpu.memory_space<vmem_shared>>) target_semaphore(%run_scoped3A : memref<!tpu.dma_semaphore, #tpu.memory_space<semaphore_mem>>)
      %dma_wait3A_180 = arith.constant 0 : i32
      %dma_wait3A_181 = tpu.memref_slice %arg12[%add3A_14, %dma_wait3A_180] : memref<10240x128xf32, #tpu.memory_space<vmem_shared>> -> memref<128x128xf32, #tpu.memory_space<vmem_shared>>
      %dma_wait3A_182 = arith.constant 0 : i32
      %dma_wait3A_183 = tpu.memref_slice %arg12[%add3A_14, %dma_wait3A_182] : memref<10240x128xf32, #tpu.memory_space<vmem_shared>> -> memref<128x128xf32, #tpu.memory_space<vmem_shared>>
      tpu.wait_dma2 semaphore(%run_scoped3A : memref<!tpu.dma_semaphore, #tpu.memory_space<semaphore_mem>>) src(%arg10 : memref<128x128xf32, #tpu.memory_space<vmem>>) dst(%dma_wait3A_183 : memref<128x128xf32, #tpu.memory_space<vmem_shared>>)
      tpu.yield
    }) : () -> ()
    %mul3A_15 = arith.constant 640 : i32
    %mul3A_16 = arith.muli %arg1, %mul3A_15 : i32
    %add3A_17 = arith.constant 256 : i32
    %add3A_18 = arith.addi %mul3A_16, %add3A_17 : i32
    "tpu.region"() ({
      %run_scoped3A = tpu.sem_alloc : memref<!tpu.dma_semaphore, #tpu.memory_space<semaphore_mem>>
      %dma_start3A_176 = arith.constant 0 : i32
      %dma_start3A_177 = tpu.memref_slice %arg12[%add3A_18, %dma_start3A_176] : memref<10240x128xf32, #tpu.memory_space<vmem_shared>> -> memref<128x128xf32, #tpu.memory_space<vmem_shared>>
      %dma_start3A_178 = arith.constant 0 : i32
      %dma_start3A_179 = tpu.memref_slice %arg12[%add3A_18, %dma_start3A_178] : memref<10240x128xf32, #tpu.memory_space<vmem_shared>> -> memref<128x128xf32, #tpu.memory_space<vmem_shared>>
      tpu.enqueue_dma source(%arg10 : memref<128x128xf32, #tpu.memory_space<vmem>>) target(%dma_start3A_179 : memref<128x128xf32, #tpu.memory_space<vmem_shared>>) target_semaphore(%run_scoped3A : memref<!tpu.dma_semaphore, #tpu.memory_space<semaphore_mem>>)
      %dma_wait3A_180 = arith.constant 0 : i32
      %dma_wait3A_181 = tpu.memref_slice %arg12[%add3A_18, %dma_wait3A_180] : memref<10240x128xf32, #tpu.memory_space<vmem_shared>> -> memref<128x128xf32, #tpu.memory_space<vmem_shared>>
      %dma_wait3A_182 = arith.constant 0 : i32
      %dma_wait3A_183 = tpu.memref_slice %arg12[%add3A_18, %dma_wait3A_182] : memref<10240x128xf32, #tpu.memory_space<vmem_shared>> -> memref<128x128xf32, #tpu.memory_space<vmem_shared>>
      tpu.wait_dma2 semaphore(%run_scoped3A : memref<!tpu.dma_semaphore, #tpu.memory_space<semaphore_mem>>) src(%arg10 : memref<128x128xf32, #tpu.memory_space<vmem>>) dst(%dma_wait3A_183 : memref<128x128xf32, #tpu.memory_space<vmem_shared>>)
      tpu.yield
    }) : () -> ()
    %mul3A_19 = arith.constant 640 : i32
    %mul3A_20 = arith.muli %arg1, %mul3A_19 : i32
    %add3A_21 = arith.constant 384 : i32
    %add3A_22 = arith.addi %mul3A_20, %add3A_21 : i32
    "tpu.region"() ({
      %run_scoped3A = tpu.sem_alloc : memref<!tpu.dma_semaphore, #tpu.memory_space<semaphore_mem>>
      %dma_start3A_176 = arith.constant 0 : i32
      %dma_start3A_177 = tpu.memref_slice %arg12[%add3A_22, %dma_start3A_176] : memref<10240x128xf32, #tpu.memory_space<vmem_shared>> -> memref<128x128xf32, #tpu.memory_space<vmem_shared>>
      %dma_start3A_178 = arith.constant 0 : i32
      %dma_start3A_179 = tpu.memref_slice %arg12[%add3A_22, %dma_start3A_178] : memref<10240x128xf32, #tpu.memory_space<vmem_shared>> -> memref<128x128xf32, #tpu.memory_space<vmem_shared>>
      tpu.enqueue_dma source(%arg10 : memref<128x128xf32, #tpu.memory_space<vmem>>) target(%dma_start3A_179 : memref<128x128xf32, #tpu.memory_space<vmem_shared>>) target_semaphore(%run_scoped3A : memref<!tpu.dma_semaphore, #tpu.memory_space<semaphore_mem>>)
      %dma_wait3A_180 = arith.constant 0 : i32
      %dma_wait3A_181 = tpu.memref_slice %arg12[%add3A_22, %dma_wait3A_180] : memref<10240x128xf32, #tpu.memory_space<vmem_shared>> -> memref<128x128xf32, #tpu.memory_space<vmem_shared>>
      %dma_wait3A_182 = arith.constant 0 : i32
      %dma_wait3A_183 = tpu.memref_slice %arg12[%add3A_22, %dma_wait3A_182] : memref<10240x128xf32, #tpu.memory_space<vmem_shared>> -> memref<128x128xf32, #tpu.memory_space<vmem_shared>>
      tpu.wait_dma2 semaphore(%run_scoped3A : memref<!tpu.dma_semaphore, #tpu.memory_space<semaphore_mem>>) src(%arg10 : memref<128x128xf32, #tpu.memory_space<vmem>>) dst(%dma_wait3A_183 : memref<128x128xf32, #tpu.memory_space<vmem_shared>>)
      tpu.yield
    }) : () -> ()
    %mul3A_23 = arith.constant 640 : i32
    %mul3A_24 = arith.muli %arg1, %mul3A_23 : i32
    %add3A_25 = arith.constant 512 : i32
    %add3A_26 = arith.addi %mul3A_24, %add3A_25 : i32
    "tpu.region"() ({
      %run_scoped3A = tpu.sem_alloc : memref<!tpu.dma_semaphore, #tpu.memory_space<semaphore_mem>>
      %dma_start3A_176 = arith.constant 0 : i32
      %dma_start3A_177 = tpu.memref_slice %arg12[%add3A_26, %dma_start3A_176] : memref<10240x128xf32, #tpu.memory_space<vmem_shared>> -> memref<128x128xf32, #tpu.memory_space<vmem_shared>>
      %dma_start3A_178 = arith.constant 0 : i32
      %dma_start3A_179 = tpu.memref_slice %arg12[%add3A_26, %dma_start3A_178] : memref<10240x128xf32, #tpu.memory_space<vmem_shared>> -> memref<128x128xf32, #tpu.memory_space<vmem_shared>>
      tpu.enqueue_dma source(%arg10 : memref<128x128xf32, #tpu.memory_space<vmem>>) target(%dma_start3A_179 : memref<128x128xf32, #tpu.memory_space<vmem_shared>>) target_semaphore(%run_scoped3A : memref<!tpu.dma_semaphore, #tpu.memory_space<semaphore_mem>>)
      %dma_wait3A_180 = arith.constant 0 : i32
      %dma_wait3A_181 = tpu.memref_slice %arg12[%add3A_26, %dma_wait3A_180] : memref<10240x128xf32, #tpu.memory_space<vmem_shared>> -> memref<128x128xf32, #tpu.memory_space<vmem_shared>>
      %dma_wait3A_182 = arith.constant 0 : i32
      %dma_wait3A_183 = tpu.memref_slice %arg12[%add3A_26, %dma_wait3A_182] : memref<10240x128xf32, #tpu.memory_space<vmem_shared>> -> memref<128x128xf32, #tpu.memory_space<vmem_shared>>
      tpu.wait_dma2 semaphore(%run_scoped3A : memref<!tpu.dma_semaphore, #tpu.memory_space<semaphore_mem>>) src(%arg10 : memref<128x128xf32, #tpu.memory_space<vmem>>) dst(%dma_wait3A_183 : memref<128x128xf32, #tpu.memory_space<vmem_shared>>)
      tpu.yield
    }) : () -> ()
    %barrier3A = arith.constant 0 : index
    tpu.barrier barrier_id(%barrier3A)
    %broadcast_in_dim3A = arith.constant 1.000000e+00 : f32
    %broadcast_in_dim3A_27 = vector.broadcast %broadcast_in_dim3A : f32 to vector<16xf32>
    %add3A_28 = arith.constant 0 : i32
    %add3A_29 = arith.addi %mul3A_2, %add3A_28 : i32
    %dma_start3A = tpu.memref_slice %arg3[%add3A_29] : memref<327680xi32, #tpu.memory_space<hbm>> -> memref<128xi32, #tpu.memory_space<hbm>>
    %dma_start3A_30 = tpu.memref_slice %arg3[%add3A_29] : memref<327680xi32, #tpu.memory_space<hbm>> -> memref<128xi32, #tpu.memory_space<hbm>>
    tpu.enqueue_dma source(%dma_start3A_30 : memref<128xi32, #tpu.memory_space<hbm>>) target(%arg6 : memref<128xi32, #tpu.memory_space<vmem>>) target_semaphore(%arg15 : memref<!tpu.dma_semaphore, #tpu.memory_space<semaphore_mem>>)
    %add3A_31 = arith.constant 0 : i32
    %add3A_32 = arith.addi %mul3A_2, %add3A_31 : i32
    %dma_start3A_33 = tpu.memref_slice %arg4[%add3A_32] : memref<327680xi32, #tpu.memory_space<hbm>> -> memref<128xi32, #tpu.memory_space<hbm>>
    %dma_start3A_34 = tpu.memref_slice %arg4[%add3A_32] : memref<327680xi32, #tpu.memory_space<hbm>> -> memref<128xi32, #tpu.memory_space<hbm>>
    tpu.enqueue_dma source(%dma_start3A_34 : memref<128xi32, #tpu.memory_space<hbm>>) target(%arg8 : memref<128xi32, #tpu.memory_space<vmem>>) target_semaphore(%arg15 : memref<!tpu.dma_semaphore, #tpu.memory_space<semaphore_mem>>)
    %add3A_35 = arith.constant 128 : i32
    %add3A_36 = arith.addi %mul3A_2, %add3A_35 : i32
    %dma_start3A_37 = tpu.memref_slice %arg3[%add3A_36] : memref<327680xi32, #tpu.memory_space<hbm>> -> memref<128xi32, #tpu.memory_space<hbm>>
    %dma_start3A_38 = tpu.memref_slice %arg3[%add3A_36] : memref<327680xi32, #tpu.memory_space<hbm>> -> memref<128xi32, #tpu.memory_space<hbm>>
    tpu.enqueue_dma source(%dma_start3A_38 : memref<128xi32, #tpu.memory_space<hbm>>) target(%arg7 : memref<128xi32, #tpu.memory_space<vmem>>) target_semaphore(%arg16 : memref<!tpu.dma_semaphore, #tpu.memory_space<semaphore_mem>>)
    %add3A_39 = arith.constant 128 : i32
    %add3A_40 = arith.addi %mul3A_2, %add3A_39 : i32
    %dma_start3A_41 = tpu.memref_slice %arg4[%add3A_40] : memref<327680xi32, #tpu.memory_space<hbm>> -> memref<128xi32, #tpu.memory_space<hbm>>
    %dma_start3A_42 = tpu.memref_slice %arg4[%add3A_40] : memref<327680xi32, #tpu.memory_space<hbm>> -> memref<128xi32, #tpu.memory_space<hbm>>
    tpu.enqueue_dma source(%dma_start3A_42 : memref<128xi32, #tpu.memory_space<hbm>>) target(%arg9 : memref<128xi32, #tpu.memory_space<vmem>>) target_semaphore(%arg16 : memref<!tpu.dma_semaphore, #tpu.memory_space<semaphore_mem>>)
    %add3A_43 = arith.constant 0 : i32
    %add3A_44 = arith.addi %mul3A_2, %add3A_43 : i32
    %dma_wait3A = tpu.memref_slice %arg3[%add3A_44] : memref<327680xi32, #tpu.memory_space<hbm>> -> memref<128xi32, #tpu.memory_space<hbm>>
    %dma_wait3A_45 = tpu.memref_slice %arg3[%add3A_44] : memref<327680xi32, #tpu.memory_space<hbm>> -> memref<128xi32, #tpu.memory_space<hbm>>
    tpu.wait_dma2 semaphore(%arg15 : memref<!tpu.dma_semaphore, #tpu.memory_space<semaphore_mem>>) src(%dma_wait3A_45 : memref<128xi32, #tpu.memory_space<hbm>>) dst(%arg6 : memref<128xi32, #tpu.memory_space<vmem>>)
    %add3A_46 = arith.constant 0 : i32
    %add3A_47 = arith.addi %mul3A_2, %add3A_46 : i32
    %dma_wait3A_48 = tpu.memref_slice %arg4[%add3A_47] : memref<327680xi32, #tpu.memory_space<hbm>> -> memref<128xi32, #tpu.memory_space<hbm>>
    %dma_wait3A_49 = tpu.memref_slice %arg4[%add3A_47] : memref<327680xi32, #tpu.memory_space<hbm>> -> memref<128xi32, #tpu.memory_space<hbm>>
    tpu.wait_dma2 semaphore(%arg15 : memref<!tpu.dma_semaphore, #tpu.memory_space<semaphore_mem>>) src(%dma_wait3A_49 : memref<128xi32, #tpu.memory_space<hbm>>) dst(%arg8 : memref<128xi32, #tpu.memory_space<vmem>>)
    %dma_start3A_50 = arith.constant 0 : i32
    %dma_start3A_51 = arith.constant 0 : i32
    %dma_start3A_52 = tpu.memref_slice %arg2[%dma_start3A_50, %dma_start3A_51] : memref<10000x128xf32, #tpu.memory_space<hbm>> -> memref<10000x128xf32, #tpu.memory_space<hbm>>
    tpu.enqueue_indirect_dma source(%dma_start3A_52 : memref<10000x128xf32, #tpu.memory_space<hbm>>) target(%arg10 : memref<128x128xf32, #tpu.memory_space<vmem>>) offsets(%arg6 : memref<128xi32, #tpu.memory_space<vmem>>) semaphore(%arg13 : memref<!tpu.dma_semaphore, #tpu.memory_space<semaphore_mem>>)
    %scan3A_53 = arith.constant 0 : i32
    %scan3A_54 = arith.constant 39 : i32
    %scan3A_55 = arith.addi %scan3A_53, %scan3A_54 : i32
    %scan3A_56 = arith.constant 1 : i32
    scf.for %scan3A_176 = %scan3A_53 to %scan3A_55 step %scan3A_56  : i32 {
      %mul3A_177 = arith.constant 1 : i32
      %mul3A_178 = arith.muli %scan3A_176, %mul3A_177 : i32
      %add3A_179 = arith.constant 0 : i32
      %add3A_180 = arith.addi %add3A_179, %mul3A_178 : i32
      %mul3A_181 = arith.constant 2 : i32
      %mul3A_182 = arith.muli %add3A_180, %mul3A_181 : i32
      %dma_wait3A_183 = arith.constant 0 : i32
      %dma_wait3A_184 = arith.constant 0 : i32
      %dma_wait3A_185 = tpu.memref_slice %arg2[%dma_wait3A_183, %dma_wait3A_184] : memref<10000x128xf32, #tpu.memory_space<hbm>> -> memref<10000x128xf32, #tpu.memory_space<hbm>>
      tpu.wait_indirect_dma semaphore(%arg13 : memref<!tpu.dma_semaphore, #tpu.memory_space<semaphore_mem>>) src(%dma_wait3A_185 : memref<10000x128xf32, #tpu.memory_space<hbm>>) dst(%arg10 : memref<128x128xf32, #tpu.memory_space<vmem>>)
      %add3A_186 = arith.constant 0 : i32
      %add3A_187 = arith.addi %mul3A_182, %add3A_186 : i32
      %add3A_188 = arith.constant 1 : i32
      %add3A_189 = arith.addi %add3A_187, %add3A_188 : i32
      %mul3A_190 = arith.constant 128 : i32
      %mul3A_191 = arith.muli %add3A_189, %mul3A_190 : i32
      %add3A_192 = arith.addi %mul3A_2, %mul3A_191 : i32
      %dma_wait3A_193 = tpu.memref_slice %arg3[%add3A_192] : memref<327680xi32, #tpu.memory_space<hbm>> -> memref<128xi32, #tpu.memory_space<hbm>>
      %dma_wait3A_194 = tpu.memref_slice %arg3[%add3A_192] : memref<327680xi32, #tpu.memory_space<hbm>> -> memref<128xi32, #tpu.memory_space<hbm>>
      tpu.wait_dma2 semaphore(%arg16 : memref<!tpu.dma_semaphore, #tpu.memory_space<semaphore_mem>>) src(%dma_wait3A_194 : memref<128xi32, #tpu.memory_space<hbm>>) dst(%arg7 : memref<128xi32, #tpu.memory_space<vmem>>)
      %mul3A_195 = arith.constant 128 : i32
      %mul3A_196 = arith.muli %add3A_189, %mul3A_195 : i32
      %add3A_197 = arith.addi %mul3A_2, %mul3A_196 : i32
      %dma_wait3A_198 = tpu.memref_slice %arg4[%add3A_197] : memref<327680xi32, #tpu.memory_space<hbm>> -> memref<128xi32, #tpu.memory_space<hbm>>
      %dma_wait3A_199 = tpu.memref_slice %arg4[%add3A_197] : memref<327680xi32, #tpu.memory_space<hbm>> -> memref<128xi32, #tpu.memory_space<hbm>>
      tpu.wait_dma2 semaphore(%arg16 : memref<!tpu.dma_semaphore, #tpu.memory_space<semaphore_mem>>) src(%dma_wait3A_199 : memref<128xi32, #tpu.memory_space<hbm>>) dst(%arg9 : memref<128xi32, #tpu.memory_space<vmem>>)
      %dma_start3A_200 = arith.constant 0 : i32
      %dma_start3A_201 = arith.constant 0 : i32
      %dma_start3A_202 = tpu.memref_slice %arg2[%dma_start3A_200, %dma_start3A_201] : memref<10000x128xf32, #tpu.memory_space<hbm>> -> memref<10000x128xf32, #tpu.memory_space<hbm>>
      tpu.enqueue_indirect_dma source(%dma_start3A_202 : memref<10000x128xf32, #tpu.memory_space<hbm>>) target(%arg11 : memref<128x128xf32, #tpu.memory_space<vmem>>) offsets(%arg7 : memref<128xi32, #tpu.memory_space<vmem>>) semaphore(%arg14 : memref<!tpu.dma_semaphore, #tpu.memory_space<semaphore_mem>>)
      "tpu.region"() ({
        %run_scoped3A = tpu.sem_alloc : memref<!tpu.dma_semaphore, #tpu.memory_space<semaphore_mem>>
        %dma_start3A_251 = arith.constant 0 : i32
        %dma_start3A_252 = arith.constant 0 : i32
        %dma_start3A_253 = tpu.memref_slice %arg12[%dma_start3A_251, %dma_start3A_252] : memref<10240x128xf32, #tpu.memory_space<vmem_shared>> -> memref<10240x128xf32, #tpu.memory_space<vmem_shared>>
        tpu.enqueue_indirect_dma source(%arg10 : memref<128x128xf32, #tpu.memory_space<vmem>>) target(%dma_start3A_253 : memref<10240x128xf32, #tpu.memory_space<vmem_shared>>) offsets(%arg8 : memref<128xi32, #tpu.memory_space<vmem>>) semaphore(%run_scoped3A : memref<!tpu.dma_semaphore, #tpu.memory_space<semaphore_mem>>) {add = true}
        %dma_wait3A_254 = arith.constant 0 : i32
        %dma_wait3A_255 = arith.constant 0 : i32
        %dma_wait3A_256 = tpu.memref_slice %arg12[%dma_wait3A_254, %dma_wait3A_255] : memref<10240x128xf32, #tpu.memory_space<vmem_shared>> -> memref<10240x128xf32, #tpu.memory_space<vmem_shared>>
        tpu.wait_indirect_dma semaphore(%run_scoped3A : memref<!tpu.dma_semaphore, #tpu.memory_space<semaphore_mem>>) src(%arg10 : memref<128x128xf32, #tpu.memory_space<vmem>>) dst(%dma_wait3A_256 : memref<10240x128xf32, #tpu.memory_space<vmem_shared>>)
        tpu.yield
      }) : () -> ()
      %add3A_203 = arith.constant 0 : i32
      %add3A_204 = arith.addi %mul3A_182, %add3A_203 : i32
      %add3A_205 = arith.constant 2 : i32
      %add3A_206 = arith.addi %add3A_204, %add3A_205 : i32
      %mul3A_207 = arith.constant 128 : i32
      %mul3A_208 = arith.muli %add3A_206, %mul3A_207 : i32
      %add3A_209 = arith.addi %mul3A_2, %mul3A_208 : i32
      %dma_start3A_210 = tpu.memref_slice %arg3[%add3A_209] : memref<327680xi32, #tpu.memory_space<hbm>> -> memref<128xi32, #tpu.memory_space<hbm>>
      %dma_start3A_211 = tpu.memref_slice %arg3[%add3A_209] : memref<327680xi32, #tpu.memory_space<hbm>> -> memref<128xi32, #tpu.memory_space<hbm>>
      tpu.enqueue_dma source(%dma_start3A_211 : memref<128xi32, #tpu.memory_space<hbm>>) target(%arg6 : memref<128xi32, #tpu.memory_space<vmem>>) target_semaphore(%arg15 : memref<!tpu.dma_semaphore, #tpu.memory_space<semaphore_mem>>)
      %mul3A_212 = arith.constant 128 : i32
      %mul3A_213 = arith.muli %add3A_206, %mul3A_212 : i32
      %add3A_214 = arith.addi %mul3A_2, %mul3A_213 : i32
      %dma_start3A_215 = tpu.memref_slice %arg4[%add3A_214] : memref<327680xi32, #tpu.memory_space<hbm>> -> memref<128xi32, #tpu.memory_space<hbm>>
      %dma_start3A_216 = tpu.memref_slice %arg4[%add3A_214] : memref<327680xi32, #tpu.memory_space<hbm>> -> memref<128xi32, #tpu.memory_space<hbm>>
      tpu.enqueue_dma source(%dma_start3A_216 : memref<128xi32, #tpu.memory_space<hbm>>) target(%arg8 : memref<128xi32, #tpu.memory_space<vmem>>) target_semaphore(%arg15 : memref<!tpu.dma_semaphore, #tpu.memory_space<semaphore_mem>>)
      %dma_wait3A_217 = arith.constant 0 : i32
      %dma_wait3A_218 = arith.constant 0 : i32
      %dma_wait3A_219 = tpu.memref_slice %arg2[%dma_wait3A_217, %dma_wait3A_218] : memref<10000x128xf32, #tpu.memory_space<hbm>> -> memref<10000x128xf32, #tpu.memory_space<hbm>>
      tpu.wait_indirect_dma semaphore(%arg14 : memref<!tpu.dma_semaphore, #tpu.memory_space<semaphore_mem>>) src(%dma_wait3A_219 : memref<10000x128xf32, #tpu.memory_space<hbm>>) dst(%arg11 : memref<128x128xf32, #tpu.memory_space<vmem>>)
      %add3A_220 = arith.constant 1 : i32
      %add3A_221 = arith.addi %mul3A_182, %add3A_220 : i32
      %add3A_222 = arith.constant 1 : i32
      %add3A_223 = arith.addi %add3A_221, %add3A_222 : i32
      %mul3A_224 = arith.constant 128 : i32
      %mul3A_225 = arith.muli %add3A_223, %mul3A_224 : i32
      %add3A_226 = arith.addi %mul3A_2, %mul3A_225 : i32
      %dma_wait3A_227 = tpu.memref_slice %arg3[%add3A_226] : memref<327680xi32, #tpu.memory_space<hbm>> -> memref<128xi32, #tpu.memory_space<hbm>>
      %dma_wait3A_228 = tpu.memref_slice %arg3[%add3A_226] : memref<327680xi32, #tpu.memory_space<hbm>> -> memref<128xi32, #tpu.memory_space<hbm>>
      tpu.wait_dma2 semaphore(%arg15 : memref<!tpu.dma_semaphore, #tpu.memory_space<semaphore_mem>>) src(%dma_wait3A_228 : memref<128xi32, #tpu.memory_space<hbm>>) dst(%arg6 : memref<128xi32, #tpu.memory_space<vmem>>)
      %mul3A_229 = arith.constant 128 : i32
      %mul3A_230 = arith.muli %add3A_223, %mul3A_229 : i32
      %add3A_231 = arith.addi %mul3A_2, %mul3A_230 : i32
      %dma_wait3A_232 = tpu.memref_slice %arg4[%add3A_231] : memref<327680xi32, #tpu.memory_space<hbm>> -> memref<128xi32, #tpu.memory_space<hbm>>
      %dma_wait3A_233 = tpu.memref_slice %arg4[%add3A_231] : memref<327680xi32, #tpu.memory_space<hbm>> -> memref<128xi32, #tpu.memory_space<hbm>>
      tpu.wait_dma2 semaphore(%arg15 : memref<!tpu.dma_semaphore, #tpu.memory_space<semaphore_mem>>) src(%dma_wait3A_233 : memref<128xi32, #tpu.memory_space<hbm>>) dst(%arg8 : memref<128xi32, #tpu.memory_space<vmem>>)
      %dma_start3A_234 = arith.constant 0 : i32
      %dma_start3A_235 = arith.constant 0 : i32
      %dma_start3A_236 = tpu.memref_slice %arg2[%dma_start3A_234, %dma_start3A_235] : memref<10000x128xf32, #tpu.memory_space<hbm>> -> memref<10000x128xf32, #tpu.memory_space<hbm>>
      tpu.enqueue_indirect_dma source(%dma_start3A_236 : memref<10000x128xf32, #tpu.memory_space<hbm>>) target(%arg10 : memref<128x128xf32, #tpu.memory_space<vmem>>) offsets(%arg6 : memref<128xi32, #tpu.memory_space<vmem>>) semaphore(%arg13 : memref<!tpu.dma_semaphore, #tpu.memory_space<semaphore_mem>>)
      "tpu.region"() ({
        %run_scoped3A = tpu.sem_alloc : memref<!tpu.dma_semaphore, #tpu.memory_space<semaphore_mem>>
        %dma_start3A_251 = arith.constant 0 : i32
        %dma_start3A_252 = arith.constant 0 : i32
        %dma_start3A_253 = tpu.memref_slice %arg12[%dma_start3A_251, %dma_start3A_252] : memref<10240x128xf32, #tpu.memory_space<vmem_shared>> -> memref<10240x128xf32, #tpu.memory_space<vmem_shared>>
        tpu.enqueue_indirect_dma source(%arg11 : memref<128x128xf32, #tpu.memory_space<vmem>>) target(%dma_start3A_253 : memref<10240x128xf32, #tpu.memory_space<vmem_shared>>) offsets(%arg9 : memref<128xi32, #tpu.memory_space<vmem>>) semaphore(%run_scoped3A : memref<!tpu.dma_semaphore, #tpu.memory_space<semaphore_mem>>) {add = true}
        %dma_wait3A_254 = arith.constant 0 : i32
        %dma_wait3A_255 = arith.constant 0 : i32
        %dma_wait3A_256 = tpu.memref_slice %arg12[%dma_wait3A_254, %dma_wait3A_255] : memref<10240x128xf32, #tpu.memory_space<vmem_shared>> -> memref<10240x128xf32, #tpu.memory_space<vmem_shared>>
        tpu.wait_indirect_dma semaphore(%run_scoped3A : memref<!tpu.dma_semaphore, #tpu.memory_space<semaphore_mem>>) src(%arg11 : memref<128x128xf32, #tpu.memory_space<vmem>>) dst(%dma_wait3A_256 : memref<10240x128xf32, #tpu.memory_space<vmem_shared>>)
        tpu.yield
      }) : () -> ()
      %add3A_237 = arith.constant 1 : i32
      %add3A_238 = arith.addi %mul3A_182, %add3A_237 : i32
      %add3A_239 = arith.constant 2 : i32
      %add3A_240 = arith.addi %add3A_238, %add3A_239 : i32
      %mul3A_241 = arith.constant 128 : i32
      %mul3A_242 = arith.muli %add3A_240, %mul3A_241 : i32
      %add3A_243 = arith.addi %mul3A_2, %mul3A_242 : i32
      %dma_start3A_244 = tpu.memref_slice %arg3[%add3A_243] : memref<327680xi32, #tpu.memory_space<hbm>> -> memref<128xi32, #tpu.memory_space<hbm>>
      %dma_start3A_245 = tpu.memref_slice %arg3[%add3A_243] : memref<327680xi32, #tpu.memory_space<hbm>> -> memref<128xi32, #tpu.memory_space<hbm>>
      tpu.enqueue_dma source(%dma_start3A_245 : memref<128xi32, #tpu.memory_space<hbm>>) target(%arg7 : memref<128xi32, #tpu.memory_space<vmem>>) target_semaphore(%arg16 : memref<!tpu.dma_semaphore, #tpu.memory_space<semaphore_mem>>)
      %mul3A_246 = arith.constant 128 : i32
      %mul3A_247 = arith.muli %add3A_240, %mul3A_246 : i32
      %add3A_248 = arith.addi %mul3A_2, %mul3A_247 : i32
      %dma_start3A_249 = tpu.memref_slice %arg4[%add3A_248] : memref<327680xi32, #tpu.memory_space<hbm>> -> memref<128xi32, #tpu.memory_space<hbm>>
      %dma_start3A_250 = tpu.memref_slice %arg4[%add3A_248] : memref<327680xi32, #tpu.memory_space<hbm>> -> memref<128xi32, #tpu.memory_space<hbm>>
      tpu.enqueue_dma source(%dma_start3A_250 : memref<128xi32, #tpu.memory_space<hbm>>) target(%arg9 : memref<128xi32, #tpu.memory_space<vmem>>) target_semaphore(%arg16 : memref<!tpu.dma_semaphore, #tpu.memory_space<semaphore_mem>>)
    }
    %scan3A_57 = arith.constant 39 : i32
    %dma_wait3A_58 = arith.constant 0 : i32
    %dma_wait3A_59 = arith.constant 0 : i32
    %dma_wait3A_60 = tpu.memref_slice %arg2[%dma_wait3A_58, %dma_wait3A_59] : memref<10000x128xf32, #tpu.memory_space<hbm>> -> memref<10000x128xf32, #tpu.memory_space<hbm>>
    tpu.wait_indirect_dma semaphore(%arg13 : memref<!tpu.dma_semaphore, #tpu.memory_space<semaphore_mem>>) src(%dma_wait3A_60 : memref<10000x128xf32, #tpu.memory_space<hbm>>) dst(%arg10 : memref<128x128xf32, #tpu.memory_space<vmem>>)
    %add3A_61 = arith.constant 10112 : i32
    %add3A_62 = arith.addi %mul3A_2, %add3A_61 : i32
    %dma_wait3A_63 = tpu.memref_slice %arg3[%add3A_62] : memref<327680xi32, #tpu.memory_space<hbm>> -> memref<128xi32, #tpu.memory_space<hbm>>
    %dma_wait3A_64 = tpu.memref_slice %arg3[%add3A_62] : memref<327680xi32, #tpu.memory_space<hbm>> -> memref<128xi32, #tpu.memory_space<hbm>>
    tpu.wait_dma2 semaphore(%arg16 : memref<!tpu.dma_semaphore, #tpu.memory_space<semaphore_mem>>) src(%dma_wait3A_64 : memref<128xi32, #tpu.memory_space<hbm>>) dst(%arg7 : memref<128xi32, #tpu.memory_space<vmem>>)
    %add3A_65 = arith.constant 10112 : i32
    %add3A_66 = arith.addi %mul3A_2, %add3A_65 : i32
    %dma_wait3A_67 = tpu.memref_slice %arg4[%add3A_66] : memref<327680xi32, #tpu.memory_space<hbm>> -> memref<128xi32, #tpu.memory_space<hbm>>
    %dma_wait3A_68 = tpu.memref_slice %arg4[%add3A_66] : memref<327680xi32, #tpu.memory_space<hbm>> -> memref<128xi32, #tpu.memory_space<hbm>>
    tpu.wait_dma2 semaphore(%arg16 : memref<!tpu.dma_semaphore, #tpu.memory_space<semaphore_mem>>) src(%dma_wait3A_68 : memref<128xi32, #tpu.memory_space<hbm>>) dst(%arg9 : memref<128xi32, #tpu.memory_space<vmem>>)
    %dma_start3A_69 = arith.constant 0 : i32
    %dma_start3A_70 = arith.constant 0 : i32
    %dma_start3A_71 = tpu.memref_slice %arg2[%dma_start3A_69, %dma_start3A_70] : memref<10000x128xf32, #tpu.memory_space<hbm>> -> memref<10000x128xf32, #tpu.memory_space<hbm>>
    tpu.enqueue_indirect_dma source(%dma_start3A_71 : memref<10000x128xf32, #tpu.memory_space<hbm>>) target(%arg11 : memref<128x128xf32, #tpu.memory_space<vmem>>) offsets(%arg7 : memref<128xi32, #tpu.memory_space<vmem>>) semaphore(%arg14 : memref<!tpu.dma_semaphore, #tpu.memory_space<semaphore_mem>>)
    "tpu.region"() ({
      %run_scoped3A = tpu.sem_alloc : memref<!tpu.dma_semaphore, #tpu.memory_space<semaphore_mem>>
      %dma_start3A_176 = arith.constant 0 : i32
      %dma_start3A_177 = arith.constant 0 : i32
      %dma_start3A_178 = tpu.memref_slice %arg12[%dma_start3A_176, %dma_start3A_177] : memref<10240x128xf32, #tpu.memory_space<vmem_shared>> -> memref<10240x128xf32, #tpu.memory_space<vmem_shared>>
      tpu.enqueue_indirect_dma source(%arg10 : memref<128x128xf32, #tpu.memory_space<vmem>>) target(%dma_start3A_178 : memref<10240x128xf32, #tpu.memory_space<vmem_shared>>) offsets(%arg8 : memref<128xi32, #tpu.memory_space<vmem>>) semaphore(%run_scoped3A : memref<!tpu.dma_semaphore, #tpu.memory_space<semaphore_mem>>) {add = true}
      %dma_wait3A_179 = arith.constant 0 : i32
      %dma_wait3A_180 = arith.constant 0 : i32
      %dma_wait3A_181 = tpu.memref_slice %arg12[%dma_wait3A_179, %dma_wait3A_180] : memref<10240x128xf32, #tpu.memory_space<vmem_shared>> -> memref<10240x128xf32, #tpu.memory_space<vmem_shared>>
      tpu.wait_indirect_dma semaphore(%run_scoped3A : memref<!tpu.dma_semaphore, #tpu.memory_space<semaphore_mem>>) src(%arg10 : memref<128x128xf32, #tpu.memory_space<vmem>>) dst(%dma_wait3A_181 : memref<10240x128xf32, #tpu.memory_space<vmem_shared>>)
      tpu.yield
    }) : () -> ()
    %dma_wait3A_72 = arith.constant 0 : i32
    %dma_wait3A_73 = arith.constant 0 : i32
    %dma_wait3A_74 = tpu.memref_slice %arg2[%dma_wait3A_72, %dma_wait3A_73] : memref<10000x128xf32, #tpu.memory_space<hbm>> -> memref<10000x128xf32, #tpu.memory_space<hbm>>
    tpu.wait_indirect_dma semaphore(%arg14 : memref<!tpu.dma_semaphore, #tpu.memory_space<semaphore_mem>>) src(%dma_wait3A_74 : memref<10000x128xf32, #tpu.memory_space<hbm>>) dst(%arg11 : memref<128x128xf32, #tpu.memory_space<vmem>>)
    "tpu.region"() ({
      %run_scoped3A = tpu.sem_alloc : memref<!tpu.dma_semaphore, #tpu.memory_space<semaphore_mem>>
      %dma_start3A_176 = arith.constant 0 : i32
      %dma_start3A_177 = arith.constant 0 : i32
      %dma_start3A_178 = tpu.memref_slice %arg12[%dma_start3A_176, %dma_start3A_177] : memref<10240x128xf32, #tpu.memory_space<vmem_shared>> -> memref<10240x128xf32, #tpu.memory_space<vmem_shared>>
      tpu.enqueue_indirect_dma source(%arg11 : memref<128x128xf32, #tpu.memory_space<vmem>>) target(%dma_start3A_178 : memref<10240x128xf32, #tpu.memory_space<vmem_shared>>) offsets(%arg9 : memref<128xi32, #tpu.memory_space<vmem>>) semaphore(%run_scoped3A : memref<!tpu.dma_semaphore, #tpu.memory_space<semaphore_mem>>) {add = true}
      %dma_wait3A_179 = arith.constant 0 : i32
      %dma_wait3A_180 = arith.constant 0 : i32
      %dma_wait3A_181 = tpu.memref_slice %arg12[%dma_wait3A_179, %dma_wait3A_180] : memref<10240x128xf32, #tpu.memory_space<vmem_shared>> -> memref<10240x128xf32, #tpu.memory_space<vmem_shared>>
      tpu.wait_indirect_dma semaphore(%run_scoped3A : memref<!tpu.dma_semaphore, #tpu.memory_space<semaphore_mem>>) src(%arg11 : memref<128x128xf32, #tpu.memory_space<vmem>>) dst(%dma_wait3A_181 : memref<10240x128xf32, #tpu.memory_space<vmem_shared>>)
      tpu.yield
    }) : () -> ()
    %barrier3A_75 = arith.constant 0 : index
    tpu.barrier barrier_id(%barrier3A_75)
    %mul3A_76 = arith.constant 640 : i32
    %mul3A_77 = arith.muli %arg1, %mul3A_76 : i32
    %add3A_78 = arith.constant 0 : i32
    %add3A_79 = arith.addi %mul3A_77, %add3A_78 : i32
    "tpu.region"() ({
      %run_scoped3A = tpu.sem_alloc : memref<!tpu.dma_semaphore, #tpu.memory_space<semaphore_mem>>
      %dma_start3A_176 = arith.constant 0 : i32
      %dma_start3A_177 = tpu.memref_slice %arg12[%add3A_79, %dma_start3A_176] : memref<10240x128xf32, #tpu.memory_space<vmem_shared>> -> memref<128x128xf32, #tpu.memory_space<vmem_shared>>
      %dma_start3A_178 = arith.constant 0 : i32
      %dma_start3A_179 = tpu.memref_slice %arg12[%add3A_79, %dma_start3A_178] : memref<10240x128xf32, #tpu.memory_space<vmem_shared>> -> memref<128x128xf32, #tpu.memory_space<vmem_shared>>
      tpu.enqueue_dma source(%dma_start3A_179 : memref<128x128xf32, #tpu.memory_space<vmem_shared>>) target(%arg10 : memref<128x128xf32, #tpu.memory_space<vmem>>) target_semaphore(%run_scoped3A : memref<!tpu.dma_semaphore, #tpu.memory_space<semaphore_mem>>)
      %dma_wait3A_180 = arith.constant 0 : i32
      %dma_wait3A_181 = tpu.memref_slice %arg12[%add3A_79, %dma_wait3A_180] : memref<10240x128xf32, #tpu.memory_space<vmem_shared>> -> memref<128x128xf32, #tpu.memory_space<vmem_shared>>
      %dma_wait3A_182 = arith.constant 0 : i32
      %dma_wait3A_183 = tpu.memref_slice %arg12[%add3A_79, %dma_wait3A_182] : memref<10240x128xf32, #tpu.memory_space<vmem_shared>> -> memref<128x128xf32, #tpu.memory_space<vmem_shared>>
      tpu.wait_dma2 semaphore(%run_scoped3A : memref<!tpu.dma_semaphore, #tpu.memory_space<semaphore_mem>>) src(%dma_wait3A_183 : memref<128x128xf32, #tpu.memory_space<vmem_shared>>) dst(%arg10 : memref<128x128xf32, #tpu.memory_space<vmem>>)
      tpu.yield
    }) : () -> ()
    %dma_start3A_80 = arith.constant 0 : i32
    %dma_start3A_81 = tpu.memref_slice %arg5[%arg0, %add3A_79, %dma_start3A_80] : memref<2x10240x128xf32, #tpu.memory_space<hbm>> -> memref<1x128x128xf32, #tpu.memory_space<hbm>>
    %dma_start3A_82 = tpu.memref_squeeze %dma_start3A_81 : memref<1x128x128xf32, #tpu.memory_space<hbm>> -> memref<128x128xf32, #tpu.memory_space<hbm>>
    %dma_start3A_83 = arith.constant 0 : i32
    %dma_start3A_84 = tpu.memref_slice %arg5[%arg0, %add3A_79, %dma_start3A_83] : memref<2x10240x128xf32, #tpu.memory_space<hbm>> -> memref<1x128x128xf32, #tpu.memory_space<hbm>>
    %dma_start3A_85 = tpu.memref_squeeze %dma_start3A_84 : memref<1x128x128xf32, #tpu.memory_space<hbm>> -> memref<128x128xf32, #tpu.memory_space<hbm>>
    tpu.enqueue_dma source(%arg10 : memref<128x128xf32, #tpu.memory_space<vmem>>) target(%dma_start3A_85 : memref<128x128xf32, #tpu.memory_space<hbm>>) target_semaphore(%arg13 : memref<!tpu.dma_semaphore, #tpu.memory_space<semaphore_mem>>)
    %mul3A_86 = arith.constant 640 : i32
    %mul3A_87 = arith.muli %arg1, %mul3A_86 : i32
    %add3A_88 = arith.constant 128 : i32
    %add3A_89 = arith.addi %mul3A_87, %add3A_88 : i32
    "tpu.region"() ({
      %run_scoped3A = tpu.sem_alloc : memref<!tpu.dma_semaphore, #tpu.memory_space<semaphore_mem>>
      %dma_start3A_176 = arith.constant 0 : i32
      %dma_start3A_177 = tpu.memref_slice %arg12[%add3A_89, %dma_start3A_176] : memref<10240x128xf32, #tpu.memory_space<vmem_shared>> -> memref<128x128xf32, #tpu.memory_space<vmem_shared>>
      %dma_start3A_178 = arith.constant 0 : i32
      %dma_start3A_179 = tpu.memref_slice %arg12[%add3A_89, %dma_start3A_178] : memref<10240x128xf32, #tpu.memory_space<vmem_shared>> -> memref<128x128xf32, #tpu.memory_space<vmem_shared>>
      tpu.enqueue_dma source(%dma_start3A_179 : memref<128x128xf32, #tpu.memory_space<vmem_shared>>) target(%arg11 : memref<128x128xf32, #tpu.memory_space<vmem>>) target_semaphore(%run_scoped3A : memref<!tpu.dma_semaphore, #tpu.memory_space<semaphore_mem>>)
      %dma_wait3A_180 = arith.constant 0 : i32
      %dma_wait3A_181 = tpu.memref_slice %arg12[%add3A_89, %dma_wait3A_180] : memref<10240x128xf32, #tpu.memory_space<vmem_shared>> -> memref<128x128xf32, #tpu.memory_space<vmem_shared>>
      %dma_wait3A_182 = arith.constant 0 : i32
      %dma_wait3A_183 = tpu.memref_slice %arg12[%add3A_89, %dma_wait3A_182] : memref<10240x128xf32, #tpu.memory_space<vmem_shared>> -> memref<128x128xf32, #tpu.memory_space<vmem_shared>>
      tpu.wait_dma2 semaphore(%run_scoped3A : memref<!tpu.dma_semaphore, #tpu.memory_space<semaphore_mem>>) src(%dma_wait3A_183 : memref<128x128xf32, #tpu.memory_space<vmem_shared>>) dst(%arg11 : memref<128x128xf32, #tpu.memory_space<vmem>>)
      tpu.yield
    }) : () -> ()
    %dma_start3A_90 = arith.constant 0 : i32
    %dma_start3A_91 = tpu.memref_slice %arg5[%arg0, %add3A_89, %dma_start3A_90] : memref<2x10240x128xf32, #tpu.memory_space<hbm>> -> memref<1x128x128xf32, #tpu.memory_space<hbm>>
    %dma_start3A_92 = tpu.memref_squeeze %dma_start3A_91 : memref<1x128x128xf32, #tpu.memory_space<hbm>> -> memref<128x128xf32, #tpu.memory_space<hbm>>
    %dma_start3A_93 = arith.constant 0 : i32
    %dma_start3A_94 = tpu.memref_slice %arg5[%arg0, %add3A_89, %dma_start3A_93] : memref<2x10240x128xf32, #tpu.memory_space<hbm>> -> memref<1x128x128xf32, #tpu.memory_space<hbm>>
    %dma_start3A_95 = tpu.memref_squeeze %dma_start3A_94 : memref<1x128x128xf32, #tpu.memory_space<hbm>> -> memref<128x128xf32, #tpu.memory_space<hbm>>
    tpu.enqueue_dma source(%arg11 : memref<128x128xf32, #tpu.memory_space<vmem>>) target(%dma_start3A_95 : memref<128x128xf32, #tpu.memory_space<hbm>>) target_semaphore(%arg14 : memref<!tpu.dma_semaphore, #tpu.memory_space<semaphore_mem>>)
    %mul3A_96 = arith.constant 640 : i32
    %mul3A_97 = arith.muli %arg1, %mul3A_96 : i32
    %add3A_98 = arith.constant 256 : i32
    %add3A_99 = arith.addi %mul3A_97, %add3A_98 : i32
    %mul3A_100 = arith.constant 640 : i32
    %mul3A_101 = arith.muli %arg1, %mul3A_100 : i32
    %add3A_102 = arith.constant 0 : i32
    %add3A_103 = arith.addi %mul3A_101, %add3A_102 : i32
    %dma_wait3A_104 = arith.constant 0 : i32
    %dma_wait3A_105 = tpu.memref_slice %arg5[%arg0, %add3A_103, %dma_wait3A_104] : memref<2x10240x128xf32, #tpu.memory_space<hbm>> -> memref<1x128x128xf32, #tpu.memory_space<hbm>>
    %dma_wait3A_106 = tpu.memref_squeeze %dma_wait3A_105 : memref<1x128x128xf32, #tpu.memory_space<hbm>> -> memref<128x128xf32, #tpu.memory_space<hbm>>
    %dma_wait3A_107 = arith.constant 0 : i32
    %dma_wait3A_108 = tpu.memref_slice %arg5[%arg0, %add3A_103, %dma_wait3A_107] : memref<2x10240x128xf32, #tpu.memory_space<hbm>> -> memref<1x128x128xf32, #tpu.memory_space<hbm>>
    %dma_wait3A_109 = tpu.memref_squeeze %dma_wait3A_108 : memref<1x128x128xf32, #tpu.memory_space<hbm>> -> memref<128x128xf32, #tpu.memory_space<hbm>>
    tpu.wait_dma2 semaphore(%arg13 : memref<!tpu.dma_semaphore, #tpu.memory_space<semaphore_mem>>) src(%arg10 : memref<128x128xf32, #tpu.memory_space<vmem>>) dst(%dma_wait3A_109 : memref<128x128xf32, #tpu.memory_space<hbm>>)
    "tpu.region"() ({
      %run_scoped3A = tpu.sem_alloc : memref<!tpu.dma_semaphore, #tpu.memory_space<semaphore_mem>>
      %dma_start3A_176 = arith.constant 0 : i32
      %dma_start3A_177 = tpu.memref_slice %arg12[%add3A_99, %dma_start3A_176] : memref<10240x128xf32, #tpu.memory_space<vmem_shared>> -> memref<128x128xf32, #tpu.memory_space<vmem_shared>>
      %dma_start3A_178 = arith.constant 0 : i32
      %dma_start3A_179 = tpu.memref_slice %arg12[%add3A_99, %dma_start3A_178] : memref<10240x128xf32, #tpu.memory_space<vmem_shared>> -> memref<128x128xf32, #tpu.memory_space<vmem_shared>>
      tpu.enqueue_dma source(%dma_start3A_179 : memref<128x128xf32, #tpu.memory_space<vmem_shared>>) target(%arg10 : memref<128x128xf32, #tpu.memory_space<vmem>>) target_semaphore(%run_scoped3A : memref<!tpu.dma_semaphore, #tpu.memory_space<semaphore_mem>>)
      %dma_wait3A_180 = arith.constant 0 : i32
      %dma_wait3A_181 = tpu.memref_slice %arg12[%add3A_99, %dma_wait3A_180] : memref<10240x128xf32, #tpu.memory_space<vmem_shared>> -> memref<128x128xf32, #tpu.memory_space<vmem_shared>>
      %dma_wait3A_182 = arith.constant 0 : i32
      %dma_wait3A_183 = tpu.memref_slice %arg12[%add3A_99, %dma_wait3A_182] : memref<10240x128xf32, #tpu.memory_space<vmem_shared>> -> memref<128x128xf32, #tpu.memory_space<vmem_shared>>
      tpu.wait_dma2 semaphore(%run_scoped3A : memref<!tpu.dma_semaphore, #tpu.memory_space<semaphore_mem>>) src(%dma_wait3A_183 : memref<128x128xf32, #tpu.memory_space<vmem_shared>>) dst(%arg10 : memref<128x128xf32, #tpu.memory_space<vmem>>)
      tpu.yield
    }) : () -> ()
    %dma_start3A_110 = arith.constant 0 : i32
    %dma_start3A_111 = tpu.memref_slice %arg5[%arg0, %add3A_99, %dma_start3A_110] : memref<2x10240x128xf32, #tpu.memory_space<hbm>> -> memref<1x128x128xf32, #tpu.memory_space<hbm>>
    %dma_start3A_112 = tpu.memref_squeeze %dma_start3A_111 : memref<1x128x128xf32, #tpu.memory_space<hbm>> -> memref<128x128xf32, #tpu.memory_space<hbm>>
    %dma_start3A_113 = arith.constant 0 : i32
    %dma_start3A_114 = tpu.memref_slice %arg5[%arg0, %add3A_99, %dma_start3A_113] : memref<2x10240x128xf32, #tpu.memory_space<hbm>> -> memref<1x128x128xf32, #tpu.memory_space<hbm>>
    %dma_start3A_115 = tpu.memref_squeeze %dma_start3A_114 : memref<1x128x128xf32, #tpu.memory_space<hbm>> -> memref<128x128xf32, #tpu.memory_space<hbm>>
    tpu.enqueue_dma source(%arg10 : memref<128x128xf32, #tpu.memory_space<vmem>>) target(%dma_start3A_115 : memref<128x128xf32, #tpu.memory_space<hbm>>) target_semaphore(%arg13 : memref<!tpu.dma_semaphore, #tpu.memory_space<semaphore_mem>>)
    %mul3A_116 = arith.constant 640 : i32
    %mul3A_117 = arith.muli %arg1, %mul3A_116 : i32
    %add3A_118 = arith.constant 384 : i32
    %add3A_119 = arith.addi %mul3A_117, %add3A_118 : i32
    %mul3A_120 = arith.constant 640 : i32
    %mul3A_121 = arith.muli %arg1, %mul3A_120 : i32
    %add3A_122 = arith.constant 128 : i32
    %add3A_123 = arith.addi %mul3A_121, %add3A_122 : i32
    %dma_wait3A_124 = arith.constant 0 : i32
    %dma_wait3A_125 = tpu.memref_slice %arg5[%arg0, %add3A_123, %dma_wait3A_124] : memref<2x10240x128xf32, #tpu.memory_space<hbm>> -> memref<1x128x128xf32, #tpu.memory_space<hbm>>
    %dma_wait3A_126 = tpu.memref_squeeze %dma_wait3A_125 : memref<1x128x128xf32, #tpu.memory_space<hbm>> -> memref<128x128xf32, #tpu.memory_space<hbm>>
    %dma_wait3A_127 = arith.constant 0 : i32
    %dma_wait3A_128 = tpu.memref_slice %arg5[%arg0, %add3A_123, %dma_wait3A_127] : memref<2x10240x128xf32, #tpu.memory_space<hbm>> -> memref<1x128x128xf32, #tpu.memory_space<hbm>>
    %dma_wait3A_129 = tpu.memref_squeeze %dma_wait3A_128 : memref<1x128x128xf32, #tpu.memory_space<hbm>> -> memref<128x128xf32, #tpu.memory_space<hbm>>
    tpu.wait_dma2 semaphore(%arg14 : memref<!tpu.dma_semaphore, #tpu.memory_space<semaphore_mem>>) src(%arg11 : memref<128x128xf32, #tpu.memory_space<vmem>>) dst(%dma_wait3A_129 : memref<128x128xf32, #tpu.memory_space<hbm>>)
    "tpu.region"() ({
      %run_scoped3A = tpu.sem_alloc : memref<!tpu.dma_semaphore, #tpu.memory_space<semaphore_mem>>
      %dma_start3A_176 = arith.constant 0 : i32
      %dma_start3A_177 = tpu.memref_slice %arg12[%add3A_119, %dma_start3A_176] : memref<10240x128xf32, #tpu.memory_space<vmem_shared>> -> memref<128x128xf32, #tpu.memory_space<vmem_shared>>
      %dma_start3A_178 = arith.constant 0 : i32
      %dma_start3A_179 = tpu.memref_slice %arg12[%add3A_119, %dma_start3A_178] : memref<10240x128xf32, #tpu.memory_space<vmem_shared>> -> memref<128x128xf32, #tpu.memory_space<vmem_shared>>
      tpu.enqueue_dma source(%dma_start3A_179 : memref<128x128xf32, #tpu.memory_space<vmem_shared>>) target(%arg11 : memref<128x128xf32, #tpu.memory_space<vmem>>) target_semaphore(%run_scoped3A : memref<!tpu.dma_semaphore, #tpu.memory_space<semaphore_mem>>)
      %dma_wait3A_180 = arith.constant 0 : i32
      %dma_wait3A_181 = tpu.memref_slice %arg12[%add3A_119, %dma_wait3A_180] : memref<10240x128xf32, #tpu.memory_space<vmem_shared>> -> memref<128x128xf32, #tpu.memory_space<vmem_shared>>
      %dma_wait3A_182 = arith.constant 0 : i32
      %dma_wait3A_183 = tpu.memref_slice %arg12[%add3A_119, %dma_wait3A_182] : memref<10240x128xf32, #tpu.memory_space<vmem_shared>> -> memref<128x128xf32, #tpu.memory_space<vmem_shared>>
      tpu.wait_dma2 semaphore(%run_scoped3A : memref<!tpu.dma_semaphore, #tpu.memory_space<semaphore_mem>>) src(%dma_wait3A_183 : memref<128x128xf32, #tpu.memory_space<vmem_shared>>) dst(%arg11 : memref<128x128xf32, #tpu.memory_space<vmem>>)
      tpu.yield
    }) : () -> ()
    %dma_start3A_130 = arith.constant 0 : i32
    %dma_start3A_131 = tpu.memref_slice %arg5[%arg0, %add3A_119, %dma_start3A_130] : memref<2x10240x128xf32, #tpu.memory_space<hbm>> -> memref<1x128x128xf32, #tpu.memory_space<hbm>>
    %dma_start3A_132 = tpu.memref_squeeze %dma_start3A_131 : memref<1x128x128xf32, #tpu.memory_space<hbm>> -> memref<128x128xf32, #tpu.memory_space<hbm>>
    %dma_start3A_133 = arith.constant 0 : i32
    %dma_start3A_134 = tpu.memref_slice %arg5[%arg0, %add3A_119, %dma_start3A_133] : memref<2x10240x128xf32, #tpu.memory_space<hbm>> -> memref<1x128x128xf32, #tpu.memory_space<hbm>>
    %dma_start3A_135 = tpu.memref_squeeze %dma_start3A_134 : memref<1x128x128xf32, #tpu.memory_space<hbm>> -> memref<128x128xf32, #tpu.memory_space<hbm>>
    tpu.enqueue_dma source(%arg11 : memref<128x128xf32, #tpu.memory_space<vmem>>) target(%dma_start3A_135 : memref<128x128xf32, #tpu.memory_space<hbm>>) target_semaphore(%arg14 : memref<!tpu.dma_semaphore, #tpu.memory_space<semaphore_mem>>)
    %mul3A_136 = arith.constant 640 : i32
    %mul3A_137 = arith.muli %arg1, %mul3A_136 : i32
    %add3A_138 = arith.constant 512 : i32
    %add3A_139 = arith.addi %mul3A_137, %add3A_138 : i32
    %mul3A_140 = arith.constant 640 : i32
    %mul3A_141 = arith.muli %arg1, %mul3A_140 : i32
    %add3A_142 = arith.constant 256 : i32
    %add3A_143 = arith.addi %mul3A_141, %add3A_142 : i32
    %dma_wait3A_144 = arith.constant 0 : i32
    %dma_wait3A_145 = tpu.memref_slice %arg5[%arg0, %add3A_143, %dma_wait3A_144] : memref<2x10240x128xf32, #tpu.memory_space<hbm>> -> memref<1x128x128xf32, #tpu.memory_space<hbm>>
    %dma_wait3A_146 = tpu.memref_squeeze %dma_wait3A_145 : memref<1x128x128xf32, #tpu.memory_space<hbm>> -> memref<128x128xf32, #tpu.memory_space<hbm>>
    %dma_wait3A_147 = arith.constant 0 : i32
    %dma_wait3A_148 = tpu.memref_slice %arg5[%arg0, %add3A_143, %dma_wait3A_147] : memref<2x10240x128xf32, #tpu.memory_space<hbm>> -> memref<1x128x128xf32, #tpu.memory_space<hbm>>
    %dma_wait3A_149 = tpu.memref_squeeze %dma_wait3A_148 : memref<1x128x128xf32, #tpu.memory_space<hbm>> -> memref<128x128xf32, #tpu.memory_space<hbm>>
    tpu.wait_dma2 semaphore(%arg13 : memref<!tpu.dma_semaphore, #tpu.memory_space<semaphore_mem>>) src(%arg10 : memref<128x128xf32, #tpu.memory_space<vmem>>) dst(%dma_wait3A_149 : memref<128x128xf32, #tpu.memory_space<hbm>>)
    "tpu.region"() ({
      %run_scoped3A = tpu.sem_alloc : memref<!tpu.dma_semaphore, #tpu.memory_space<semaphore_mem>>
      %dma_start3A_176 = arith.constant 0 : i32
      %dma_start3A_177 = tpu.memref_slice %arg12[%add3A_139, %dma_start3A_176] : memref<10240x128xf32, #tpu.memory_space<vmem_shared>> -> memref<128x128xf32, #tpu.memory_space<vmem_shared>>
      %dma_start3A_178 = arith.constant 0 : i32
      %dma_start3A_179 = tpu.memref_slice %arg12[%add3A_139, %dma_start3A_178] : memref<10240x128xf32, #tpu.memory_space<vmem_shared>> -> memref<128x128xf32, #tpu.memory_space<vmem_shared>>
      tpu.enqueue_dma source(%dma_start3A_179 : memref<128x128xf32, #tpu.memory_space<vmem_shared>>) target(%arg10 : memref<128x128xf32, #tpu.memory_space<vmem>>) target_semaphore(%run_scoped3A : memref<!tpu.dma_semaphore, #tpu.memory_space<semaphore_mem>>)
      %dma_wait3A_180 = arith.constant 0 : i32
      %dma_wait3A_181 = tpu.memref_slice %arg12[%add3A_139, %dma_wait3A_180] : memref<10240x128xf32, #tpu.memory_space<vmem_shared>> -> memref<128x128xf32, #tpu.memory_space<vmem_shared>>
      %dma_wait3A_182 = arith.constant 0 : i32
      %dma_wait3A_183 = tpu.memref_slice %arg12[%add3A_139, %dma_wait3A_182] : memref<10240x128xf32, #tpu.memory_space<vmem_shared>> -> memref<128x128xf32, #tpu.memory_space<vmem_shared>>
      tpu.wait_dma2 semaphore(%run_scoped3A : memref<!tpu.dma_semaphore, #tpu.memory_space<semaphore_mem>>) src(%dma_wait3A_183 : memref<128x128xf32, #tpu.memory_space<vmem_shared>>) dst(%arg10 : memref<128x128xf32, #tpu.memory_space<vmem>>)
      tpu.yield
    }) : () -> ()
    %dma_start3A_150 = arith.constant 0 : i32
    %dma_start3A_151 = tpu.memref_slice %arg5[%arg0, %add3A_139, %dma_start3A_150] : memref<2x10240x128xf32, #tpu.memory_space<hbm>> -> memref<1x128x128xf32, #tpu.memory_space<hbm>>
    %dma_start3A_152 = tpu.memref_squeeze %dma_start3A_151 : memref<1x128x128xf32, #tpu.memory_space<hbm>> -> memref<128x128xf32, #tpu.memory_space<hbm>>
    %dma_start3A_153 = arith.constant 0 : i32
    %dma_start3A_154 = tpu.memref_slice %arg5[%arg0, %add3A_139, %dma_start3A_153] : memref<2x10240x128xf32, #tpu.memory_space<hbm>> -> memref<1x128x128xf32, #tpu.memory_space<hbm>>
    %dma_start3A_155 = tpu.memref_squeeze %dma_start3A_154 : memref<1x128x128xf32, #tpu.memory_space<hbm>> -> memref<128x128xf32, #tpu.memory_space<hbm>>
    tpu.enqueue_dma source(%arg10 : memref<128x128xf32, #tpu.memory_space<vmem>>) target(%dma_start3A_155 : memref<128x128xf32, #tpu.memory_space<hbm>>) target_semaphore(%arg13 : memref<!tpu.dma_semaphore, #tpu.memory_space<semaphore_mem>>)
    %mul3A_156 = arith.constant 640 : i32
    %mul3A_157 = arith.muli %arg1, %mul3A_156 : i32
    %add3A_158 = arith.constant 384 : i32
    %add3A_159 = arith.addi %mul3A_157, %add3A_158 : i32
    %dma_wait3A_160 = arith.constant 0 : i32
    %dma_wait3A_161 = tpu.memref_slice %arg5[%arg0, %add3A_159, %dma_wait3A_160] : memref<2x10240x128xf32, #tpu.memory_space<hbm>> -> memref<1x128x128xf32, #tpu.memory_space<hbm>>
    %dma_wait3A_162 = tpu.memref_squeeze %dma_wait3A_161 : memref<1x128x128xf32, #tpu.memory_space<hbm>> -> memref<128x128xf32, #tpu.memory_space<hbm>>
    %dma_wait3A_163 = arith.constant 0 : i32
    %dma_wait3A_164 = tpu.memref_slice %arg5[%arg0, %add3A_159, %dma_wait3A_163] : memref<2x10240x128xf32, #tpu.memory_space<hbm>> -> memref<1x128x128xf32, #tpu.memory_space<hbm>>
    %dma_wait3A_165 = tpu.memref_squeeze %dma_wait3A_164 : memref<1x128x128xf32, #tpu.memory_space<hbm>> -> memref<128x128xf32, #tpu.memory_space<hbm>>
    tpu.wait_dma2 semaphore(%arg14 : memref<!tpu.dma_semaphore, #tpu.memory_space<semaphore_mem>>) src(%arg11 : memref<128x128xf32, #tpu.memory_space<vmem>>) dst(%dma_wait3A_165 : memref<128x128xf32, #tpu.memory_space<hbm>>)
    %mul3A_166 = arith.constant 640 : i32
    %mul3A_167 = arith.muli %arg1, %mul3A_166 : i32
    %add3A_168 = arith.constant 512 : i32
    %add3A_169 = arith.addi %mul3A_167, %add3A_168 : i32
    %dma_wait3A_170 = arith.constant 0 : i32
    %dma_wait3A_171 = tpu.memref_slice %arg5[%arg0, %add3A_169, %dma_wait3A_170] : memref<2x10240x128xf32, #tpu.memory_space<hbm>> -> memref<1x128x128xf32, #tpu.memory_space<hbm>>
    %dma_wait3A_172 = tpu.memref_squeeze %dma_wait3A_171 : memref<1x128x128xf32, #tpu.memory_space<hbm>> -> memref<128x128xf32, #tpu.memory_space<hbm>>
    %dma_wait3A_173 = arith.constant 0 : i32
    %dma_wait3A_174 = tpu.memref_slice %arg5[%arg0, %add3A_169, %dma_wait3A_173] : memref<2x10240x128xf32, #tpu.memory_space<hbm>> -> memref<1x128x128xf32, #tpu.memory_space<hbm>>
    %dma_wait3A_175 = tpu.memref_squeeze %dma_wait3A_174 : memref<1x128x128xf32, #tpu.memory_space<hbm>> -> memref<128x128xf32, #tpu.memory_space<hbm>>
    tpu.wait_dma2 semaphore(%arg13 : memref<!tpu.dma_semaphore, #tpu.memory_space<semaphore_mem>>) src(%arg10 : memref<128x128xf32, #tpu.memory_space<vmem>>) dst(%dma_wait3A_175 : memref<128x128xf32, #tpu.memory_space<hbm>>)
    return
  }
}

#map = affine_map<(d0, d1) -> (0, 0)>
#map1 = affine_map<(d0, d1) -> (0)>
#map2 = affine_map<(d0, d1) -> (0, 0, 0)>
module attributes {stable_mosaic.version = 14 : i64} {
  func.func @_agg_body(%arg0: i32, %arg1: i32, %arg2: memref<10000x128xf32, #tpu.memory_space<hbm>>, %arg3: memref<327680xi32, #tpu.memory_space<hbm>>, %arg4: memref<327680xi32, #tpu.memory_space<hbm>>, %arg5: memref<2x10240x128xf32, #tpu.memory_space<hbm>>, %arg6: memref<2x16x10240xf32, #tpu.memory_space<hbm>>, %arg7: memref<128xi32, #tpu.memory_space<vmem>>, %arg8: memref<128xi32, #tpu.memory_space<vmem>>, %arg9: memref<128xi32, #tpu.memory_space<vmem>>, %arg10: memref<128xi32, #tpu.memory_space<vmem>>, %arg11: memref<128x128xf32, #tpu.memory_space<vmem>>, %arg12: memref<128x128xf32, #tpu.memory_space<vmem>>, %arg13: memref<10240xf32, #tpu.memory_space<vmem>>, %arg14: memref<10240x128xf32, #tpu.memory_space<vmem_shared>>, %arg15: memref<!tpu.dma_semaphore, #tpu.memory_space<semaphore_mem>>, %arg16: memref<!tpu.dma_semaphore, #tpu.memory_space<semaphore_mem>>, %arg17: memref<!tpu.dma_semaphore, #tpu.memory_space<semaphore_mem>>, %arg18: memref<!tpu.dma_semaphore, #tpu.memory_space<semaphore_mem>>) attributes {dimension_semantics = [#tpu.dimension_semantics<core_parallel>, #tpu.dimension_semantics<subcore_parallel>], iteration_bounds = array<i64: 2, 16>, scalar_prefetch = 0 : i64, scratch_operands = 12 : i64, tpu.core_type = #tpu.core_type<sc_vector_subcore>, window_params = [{transform_indices = #map}, {transform_indices = #map1}, {transform_indices = #map1}, {transform_indices = #map2}, {transform_indices = #map2}]} {
    %mul3A = arith.constant 16 : i32
    %mul3A_0 = arith.muli %arg0, %mul3A : i32
    %add3A = arith.addi %mul3A_0, %arg1 : i32
    %mul3A_1 = arith.constant 10240 : i32
    %mul3A_2 = arith.muli %add3A, %mul3A_1 : i32
    %scan3A = arith.constant 0 : i32
    %scan3A_3 = arith.constant 128 : i32
    %scan3A_4 = arith.addi %scan3A, %scan3A_3 : i32
    %scan3A_5 = arith.constant 1 : i32
    scf.for %scan3A_191 = %scan3A to %scan3A_4 step %scan3A_5  : i32 {
      %mul3A_192 = arith.constant 1 : i32
      %mul3A_193 = arith.muli %scan3A_191, %mul3A_192 : i32
      %add3A_194 = arith.constant 0 : i32
      %add3A_195 = arith.addi %add3A_194, %mul3A_193 : i32
      %scan3A_196 = arith.constant 0 : i32
      %scan3A_197 = arith.constant 8 : i32
      %scan3A_198 = arith.addi %scan3A_196, %scan3A_197 : i32
      %scan3A_199 = arith.constant 1 : i32
      scf.for %scan3A_201 = %scan3A_196 to %scan3A_198 step %scan3A_199  : i32 {
        %mul3A_202 = arith.constant 16 : i32
        %mul3A_203 = arith.muli %scan3A_201, %mul3A_202 : i32
        %add3A_204 = arith.constant 0 : i32
        %add3A_205 = arith.addi %add3A_204, %mul3A_203 : i32
        %broadcast_in_dim3A_206 = arith.constant 0.000000e+00 : f32
        %broadcast_in_dim3A_207 = vector.broadcast %broadcast_in_dim3A_206 : f32 to vector<16xf32>
        %swap3A = arith.index_cast %add3A_195 : i32 to index
        %swap3A_208 = arith.index_cast %add3A_205 : i32 to index
        %swap3A_209 = tpu.vector_load %arg11[%swap3A, %swap3A_208] {strides = array<i32>} : memref<128x128xf32, #tpu.memory_space<vmem>>, vector<16xf32>,
        tpu.vector_store %arg11[%swap3A, %swap3A_208], %broadcast_in_dim3A_207 {strides = array<i32>} : memref<128x128xf32, #tpu.memory_space<vmem>>, vector<16xf32>,
      }
      %scan3A_200 = arith.constant 8 : i32
    }
    %scan3A_6 = arith.constant 128 : i32
    %scan3A_7 = arith.constant 0 : i32
    %scan3A_8 = arith.constant 640 : i32
    %scan3A_9 = arith.addi %scan3A_7, %scan3A_8 : i32
    %scan3A_10 = arith.constant 1 : i32
    scf.for %scan3A_191 = %scan3A_7 to %scan3A_9 step %scan3A_10  : i32 {
      %mul3A_192 = arith.constant 16 : i32
      %mul3A_193 = arith.muli %scan3A_191, %mul3A_192 : i32
      %add3A_194 = arith.constant 0 : i32
      %add3A_195 = arith.addi %add3A_194, %mul3A_193 : i32
      %broadcast_in_dim3A_196 = arith.constant 0.000000e+00 : f32
      %broadcast_in_dim3A_197 = vector.broadcast %broadcast_in_dim3A_196 : f32 to vector<16xf32>
      %swap3A = arith.index_cast %add3A_195 : i32 to index
      %swap3A_198 = tpu.vector_load %arg13[%swap3A] {strides = array<i32>} : memref<10240xf32, #tpu.memory_space<vmem>>, vector<16xf32>,
      tpu.vector_store %arg13[%swap3A], %broadcast_in_dim3A_197 {strides = array<i32>} : memref<10240xf32, #tpu.memory_space<vmem>>, vector<16xf32>,
    }
    %scan3A_11 = arith.constant 640 : i32
    %mul3A_12 = arith.constant 640 : i32
    %mul3A_13 = arith.muli %arg1, %mul3A_12 : i32
    %add3A_14 = arith.constant 0 : i32
    %add3A_15 = arith.addi %mul3A_13, %add3A_14 : i32
    "tpu.region"() ({
      %run_scoped3A = tpu.sem_alloc : memref<!tpu.dma_semaphore, #tpu.memory_space<semaphore_mem>>
      %dma_start3A_191 = arith.constant 0 : i32
      %dma_start3A_192 = tpu.memref_slice %arg14[%add3A_15, %dma_start3A_191] : memref<10240x128xf32, #tpu.memory_space<vmem_shared>> -> memref<128x128xf32, #tpu.memory_space<vmem_shared>>
      %dma_start3A_193 = arith.constant 0 : i32
      %dma_start3A_194 = tpu.memref_slice %arg14[%add3A_15, %dma_start3A_193] : memref<10240x128xf32, #tpu.memory_space<vmem_shared>> -> memref<128x128xf32, #tpu.memory_space<vmem_shared>>
      tpu.enqueue_dma source(%arg11 : memref<128x128xf32, #tpu.memory_space<vmem>>) target(%dma_start3A_194 : memref<128x128xf32, #tpu.memory_space<vmem_shared>>) target_semaphore(%run_scoped3A : memref<!tpu.dma_semaphore, #tpu.memory_space<semaphore_mem>>)
      %dma_wait3A_195 = arith.constant 0 : i32
      %dma_wait3A_196 = tpu.memref_slice %arg14[%add3A_15, %dma_wait3A_195] : memref<10240x128xf32, #tpu.memory_space<vmem_shared>> -> memref<128x128xf32, #tpu.memory_space<vmem_shared>>
      %dma_wait3A_197 = arith.constant 0 : i32
      %dma_wait3A_198 = tpu.memref_slice %arg14[%add3A_15, %dma_wait3A_197] : memref<10240x128xf32, #tpu.memory_space<vmem_shared>> -> memref<128x128xf32, #tpu.memory_space<vmem_shared>>
      tpu.wait_dma2 semaphore(%run_scoped3A : memref<!tpu.dma_semaphore, #tpu.memory_space<semaphore_mem>>) src(%arg11 : memref<128x128xf32, #tpu.memory_space<vmem>>) dst(%dma_wait3A_198 : memref<128x128xf32, #tpu.memory_space<vmem_shared>>)
      tpu.yield
    }) : () -> ()
    %mul3A_16 = arith.constant 640 : i32
    %mul3A_17 = arith.muli %arg1, %mul3A_16 : i32
    %add3A_18 = arith.constant 128 : i32
    %add3A_19 = arith.addi %mul3A_17, %add3A_18 : i32
    "tpu.region"() ({
      %run_scoped3A = tpu.sem_alloc : memref<!tpu.dma_semaphore, #tpu.memory_space<semaphore_mem>>
      %dma_start3A_191 = arith.constant 0 : i32
      %dma_start3A_192 = tpu.memref_slice %arg14[%add3A_19, %dma_start3A_191] : memref<10240x128xf32, #tpu.memory_space<vmem_shared>> -> memref<128x128xf32, #tpu.memory_space<vmem_shared>>
      %dma_start3A_193 = arith.constant 0 : i32
      %dma_start3A_194 = tpu.memref_slice %arg14[%add3A_19, %dma_start3A_193] : memref<10240x128xf32, #tpu.memory_space<vmem_shared>> -> memref<128x128xf32, #tpu.memory_space<vmem_shared>>
      tpu.enqueue_dma source(%arg11 : memref<128x128xf32, #tpu.memory_space<vmem>>) target(%dma_start3A_194 : memref<128x128xf32, #tpu.memory_space<vmem_shared>>) target_semaphore(%run_scoped3A : memref<!tpu.dma_semaphore, #tpu.memory_space<semaphore_mem>>)
      %dma_wait3A_195 = arith.constant 0 : i32
      %dma_wait3A_196 = tpu.memref_slice %arg14[%add3A_19, %dma_wait3A_195] : memref<10240x128xf32, #tpu.memory_space<vmem_shared>> -> memref<128x128xf32, #tpu.memory_space<vmem_shared>>
      %dma_wait3A_197 = arith.constant 0 : i32
      %dma_wait3A_198 = tpu.memref_slice %arg14[%add3A_19, %dma_wait3A_197] : memref<10240x128xf32, #tpu.memory_space<vmem_shared>> -> memref<128x128xf32, #tpu.memory_space<vmem_shared>>
      tpu.wait_dma2 semaphore(%run_scoped3A : memref<!tpu.dma_semaphore, #tpu.memory_space<semaphore_mem>>) src(%arg11 : memref<128x128xf32, #tpu.memory_space<vmem>>) dst(%dma_wait3A_198 : memref<128x128xf32, #tpu.memory_space<vmem_shared>>)
      tpu.yield
    }) : () -> ()
    %mul3A_20 = arith.constant 640 : i32
    %mul3A_21 = arith.muli %arg1, %mul3A_20 : i32
    %add3A_22 = arith.constant 256 : i32
    %add3A_23 = arith.addi %mul3A_21, %add3A_22 : i32
    "tpu.region"() ({
      %run_scoped3A = tpu.sem_alloc : memref<!tpu.dma_semaphore, #tpu.memory_space<semaphore_mem>>
      %dma_start3A_191 = arith.constant 0 : i32
      %dma_start3A_192 = tpu.memref_slice %arg14[%add3A_23, %dma_start3A_191] : memref<10240x128xf32, #tpu.memory_space<vmem_shared>> -> memref<128x128xf32, #tpu.memory_space<vmem_shared>>
      %dma_start3A_193 = arith.constant 0 : i32
      %dma_start3A_194 = tpu.memref_slice %arg14[%add3A_23, %dma_start3A_193] : memref<10240x128xf32, #tpu.memory_space<vmem_shared>> -> memref<128x128xf32, #tpu.memory_space<vmem_shared>>
      tpu.enqueue_dma source(%arg11 : memref<128x128xf32, #tpu.memory_space<vmem>>) target(%dma_start3A_194 : memref<128x128xf32, #tpu.memory_space<vmem_shared>>) target_semaphore(%run_scoped3A : memref<!tpu.dma_semaphore, #tpu.memory_space<semaphore_mem>>)
      %dma_wait3A_195 = arith.constant 0 : i32
      %dma_wait3A_196 = tpu.memref_slice %arg14[%add3A_23, %dma_wait3A_195] : memref<10240x128xf32, #tpu.memory_space<vmem_shared>> -> memref<128x128xf32, #tpu.memory_space<vmem_shared>>
      %dma_wait3A_197 = arith.constant 0 : i32
      %dma_wait3A_198 = tpu.memref_slice %arg14[%add3A_23, %dma_wait3A_197] : memref<10240x128xf32, #tpu.memory_space<vmem_shared>> -> memref<128x128xf32, #tpu.memory_space<vmem_shared>>
      tpu.wait_dma2 semaphore(%run_scoped3A : memref<!tpu.dma_semaphore, #tpu.memory_space<semaphore_mem>>) src(%arg11 : memref<128x128xf32, #tpu.memory_space<vmem>>) dst(%dma_wait3A_198 : memref<128x128xf32, #tpu.memory_space<vmem_shared>>)
      tpu.yield
    }) : () -> ()
    %mul3A_24 = arith.constant 640 : i32
    %mul3A_25 = arith.muli %arg1, %mul3A_24 : i32
    %add3A_26 = arith.constant 384 : i32
    %add3A_27 = arith.addi %mul3A_25, %add3A_26 : i32
    "tpu.region"() ({
      %run_scoped3A = tpu.sem_alloc : memref<!tpu.dma_semaphore, #tpu.memory_space<semaphore_mem>>
      %dma_start3A_191 = arith.constant 0 : i32
      %dma_start3A_192 = tpu.memref_slice %arg14[%add3A_27, %dma_start3A_191] : memref<10240x128xf32, #tpu.memory_space<vmem_shared>> -> memref<128x128xf32, #tpu.memory_space<vmem_shared>>
      %dma_start3A_193 = arith.constant 0 : i32
      %dma_start3A_194 = tpu.memref_slice %arg14[%add3A_27, %dma_start3A_193] : memref<10240x128xf32, #tpu.memory_space<vmem_shared>> -> memref<128x128xf32, #tpu.memory_space<vmem_shared>>
      tpu.enqueue_dma source(%arg11 : memref<128x128xf32, #tpu.memory_space<vmem>>) target(%dma_start3A_194 : memref<128x128xf32, #tpu.memory_space<vmem_shared>>) target_semaphore(%run_scoped3A : memref<!tpu.dma_semaphore, #tpu.memory_space<semaphore_mem>>)
      %dma_wait3A_195 = arith.constant 0 : i32
      %dma_wait3A_196 = tpu.memref_slice %arg14[%add3A_27, %dma_wait3A_195] : memref<10240x128xf32, #tpu.memory_space<vmem_shared>> -> memref<128x128xf32, #tpu.memory_space<vmem_shared>>
      %dma_wait3A_197 = arith.constant 0 : i32
      %dma_wait3A_198 = tpu.memref_slice %arg14[%add3A_27, %dma_wait3A_197] : memref<10240x128xf32, #tpu.memory_space<vmem_shared>> -> memref<128x128xf32, #tpu.memory_space<vmem_shared>>
      tpu.wait_dma2 semaphore(%run_scoped3A : memref<!tpu.dma_semaphore, #tpu.memory_space<semaphore_mem>>) src(%arg11 : memref<128x128xf32, #tpu.memory_space<vmem>>) dst(%dma_wait3A_198 : memref<128x128xf32, #tpu.memory_space<vmem_shared>>)
      tpu.yield
    }) : () -> ()
    %mul3A_28 = arith.constant 640 : i32
    %mul3A_29 = arith.muli %arg1, %mul3A_28 : i32
    %add3A_30 = arith.constant 512 : i32
    %add3A_31 = arith.addi %mul3A_29, %add3A_30 : i32
    "tpu.region"() ({
      %run_scoped3A = tpu.sem_alloc : memref<!tpu.dma_semaphore, #tpu.memory_space<semaphore_mem>>
      %dma_start3A_191 = arith.constant 0 : i32
      %dma_start3A_192 = tpu.memref_slice %arg14[%add3A_31, %dma_start3A_191] : memref<10240x128xf32, #tpu.memory_space<vmem_shared>> -> memref<128x128xf32, #tpu.memory_space<vmem_shared>>
      %dma_start3A_193 = arith.constant 0 : i32
      %dma_start3A_194 = tpu.memref_slice %arg14[%add3A_31, %dma_start3A_193] : memref<10240x128xf32, #tpu.memory_space<vmem_shared>> -> memref<128x128xf32, #tpu.memory_space<vmem_shared>>
      tpu.enqueue_dma source(%arg11 : memref<128x128xf32, #tpu.memory_space<vmem>>) target(%dma_start3A_194 : memref<128x128xf32, #tpu.memory_space<vmem_shared>>) target_semaphore(%run_scoped3A : memref<!tpu.dma_semaphore, #tpu.memory_space<semaphore_mem>>)
      %dma_wait3A_195 = arith.constant 0 : i32
      %dma_wait3A_196 = tpu.memref_slice %arg14[%add3A_31, %dma_wait3A_195] : memref<10240x128xf32, #tpu.memory_space<vmem_shared>> -> memref<128x128xf32, #tpu.memory_space<vmem_shared>>
      %dma_wait3A_197 = arith.constant 0 : i32
      %dma_wait3A_198 = tpu.memref_slice %arg14[%add3A_31, %dma_wait3A_197] : memref<10240x128xf32, #tpu.memory_space<vmem_shared>> -> memref<128x128xf32, #tpu.memory_space<vmem_shared>>
      tpu.wait_dma2 semaphore(%run_scoped3A : memref<!tpu.dma_semaphore, #tpu.memory_space<semaphore_mem>>) src(%arg11 : memref<128x128xf32, #tpu.memory_space<vmem>>) dst(%dma_wait3A_198 : memref<128x128xf32, #tpu.memory_space<vmem_shared>>)
      tpu.yield
    }) : () -> ()
    %barrier3A = arith.constant 0 : index
    tpu.barrier barrier_id(%barrier3A)
    %broadcast_in_dim3A = arith.constant 1.000000e+00 : f32
    %broadcast_in_dim3A_32 = vector.broadcast %broadcast_in_dim3A : f32 to vector<16xf32>
    %add3A_33 = arith.constant 0 : i32
    %add3A_34 = arith.addi %mul3A_2, %add3A_33 : i32
    %dma_start3A = tpu.memref_slice %arg3[%add3A_34] : memref<327680xi32, #tpu.memory_space<hbm>> -> memref<128xi32, #tpu.memory_space<hbm>>
    %dma_start3A_35 = tpu.memref_slice %arg3[%add3A_34] : memref<327680xi32, #tpu.memory_space<hbm>> -> memref<128xi32, #tpu.memory_space<hbm>>
    tpu.enqueue_dma source(%dma_start3A_35 : memref<128xi32, #tpu.memory_space<hbm>>) target(%arg7 : memref<128xi32, #tpu.memory_space<vmem>>) target_semaphore(%arg17 : memref<!tpu.dma_semaphore, #tpu.memory_space<semaphore_mem>>)
    %add3A_36 = arith.constant 0 : i32
    %add3A_37 = arith.addi %mul3A_2, %add3A_36 : i32
    %dma_start3A_38 = tpu.memref_slice %arg4[%add3A_37] : memref<327680xi32, #tpu.memory_space<hbm>> -> memref<128xi32, #tpu.memory_space<hbm>>
    %dma_start3A_39 = tpu.memref_slice %arg4[%add3A_37] : memref<327680xi32, #tpu.memory_space<hbm>> -> memref<128xi32, #tpu.memory_space<hbm>>
    tpu.enqueue_dma source(%dma_start3A_39 : memref<128xi32, #tpu.memory_space<hbm>>) target(%arg9 : memref<128xi32, #tpu.memory_space<vmem>>) target_semaphore(%arg17 : memref<!tpu.dma_semaphore, #tpu.memory_space<semaphore_mem>>)
    %add3A_40 = arith.constant 128 : i32
    %add3A_41 = arith.addi %mul3A_2, %add3A_40 : i32
    %dma_start3A_42 = tpu.memref_slice %arg3[%add3A_41] : memref<327680xi32, #tpu.memory_space<hbm>> -> memref<128xi32, #tpu.memory_space<hbm>>
    %dma_start3A_43 = tpu.memref_slice %arg3[%add3A_41] : memref<327680xi32, #tpu.memory_space<hbm>> -> memref<128xi32, #tpu.memory_space<hbm>>
    tpu.enqueue_dma source(%dma_start3A_43 : memref<128xi32, #tpu.memory_space<hbm>>) target(%arg8 : memref<128xi32, #tpu.memory_space<vmem>>) target_semaphore(%arg18 : memref<!tpu.dma_semaphore, #tpu.memory_space<semaphore_mem>>)
    %add3A_44 = arith.constant 128 : i32
    %add3A_45 = arith.addi %mul3A_2, %add3A_44 : i32
    %dma_start3A_46 = tpu.memref_slice %arg4[%add3A_45] : memref<327680xi32, #tpu.memory_space<hbm>> -> memref<128xi32, #tpu.memory_space<hbm>>
    %dma_start3A_47 = tpu.memref_slice %arg4[%add3A_45] : memref<327680xi32, #tpu.memory_space<hbm>> -> memref<128xi32, #tpu.memory_space<hbm>>
    tpu.enqueue_dma source(%dma_start3A_47 : memref<128xi32, #tpu.memory_space<hbm>>) target(%arg10 : memref<128xi32, #tpu.memory_space<vmem>>) target_semaphore(%arg18 : memref<!tpu.dma_semaphore, #tpu.memory_space<semaphore_mem>>)
    %add3A_48 = arith.constant 0 : i32
    %add3A_49 = arith.addi %mul3A_2, %add3A_48 : i32
    %dma_wait3A = tpu.memref_slice %arg3[%add3A_49] : memref<327680xi32, #tpu.memory_space<hbm>> -> memref<128xi32, #tpu.memory_space<hbm>>
    %dma_wait3A_50 = tpu.memref_slice %arg3[%add3A_49] : memref<327680xi32, #tpu.memory_space<hbm>> -> memref<128xi32, #tpu.memory_space<hbm>>
    tpu.wait_dma2 semaphore(%arg17 : memref<!tpu.dma_semaphore, #tpu.memory_space<semaphore_mem>>) src(%dma_wait3A_50 : memref<128xi32, #tpu.memory_space<hbm>>) dst(%arg7 : memref<128xi32, #tpu.memory_space<vmem>>)
    %add3A_51 = arith.constant 0 : i32
    %add3A_52 = arith.addi %mul3A_2, %add3A_51 : i32
    %dma_wait3A_53 = tpu.memref_slice %arg4[%add3A_52] : memref<327680xi32, #tpu.memory_space<hbm>> -> memref<128xi32, #tpu.memory_space<hbm>>
    %dma_wait3A_54 = tpu.memref_slice %arg4[%add3A_52] : memref<327680xi32, #tpu.memory_space<hbm>> -> memref<128xi32, #tpu.memory_space<hbm>>
    tpu.wait_dma2 semaphore(%arg17 : memref<!tpu.dma_semaphore, #tpu.memory_space<semaphore_mem>>) src(%dma_wait3A_54 : memref<128xi32, #tpu.memory_space<hbm>>) dst(%arg9 : memref<128xi32, #tpu.memory_space<vmem>>)
    %dma_start3A_55 = arith.constant 0 : i32
    %dma_start3A_56 = arith.constant 0 : i32
    %dma_start3A_57 = tpu.memref_slice %arg2[%dma_start3A_55, %dma_start3A_56] : memref<10000x128xf32, #tpu.memory_space<hbm>> -> memref<10000x128xf32, #tpu.memory_space<hbm>>
    tpu.enqueue_indirect_dma source(%dma_start3A_57 : memref<10000x128xf32, #tpu.memory_space<hbm>>) target(%arg11 : memref<128x128xf32, #tpu.memory_space<vmem>>) offsets(%arg7 : memref<128xi32, #tpu.memory_space<vmem>>) semaphore(%arg15 : memref<!tpu.dma_semaphore, #tpu.memory_space<semaphore_mem>>)
    %scan3A_58 = arith.constant 0 : i32
    %scan3A_59 = arith.constant 39 : i32
    %scan3A_60 = arith.addi %scan3A_58, %scan3A_59 : i32
    %scan3A_61 = arith.constant 1 : i32
    scf.for %scan3A_191 = %scan3A_58 to %scan3A_60 step %scan3A_61  : i32 {
      %mul3A_192 = arith.constant 1 : i32
      %mul3A_193 = arith.muli %scan3A_191, %mul3A_192 : i32
      %add3A_194 = arith.constant 0 : i32
      %add3A_195 = arith.addi %add3A_194, %mul3A_193 : i32
      %mul3A_196 = arith.constant 2 : i32
      %mul3A_197 = arith.muli %add3A_195, %mul3A_196 : i32
      %dma_wait3A_198 = arith.constant 0 : i32
      %dma_wait3A_199 = arith.constant 0 : i32
      %dma_wait3A_200 = tpu.memref_slice %arg2[%dma_wait3A_198, %dma_wait3A_199] : memref<10000x128xf32, #tpu.memory_space<hbm>> -> memref<10000x128xf32, #tpu.memory_space<hbm>>
      tpu.wait_indirect_dma semaphore(%arg15 : memref<!tpu.dma_semaphore, #tpu.memory_space<semaphore_mem>>) src(%dma_wait3A_200 : memref<10000x128xf32, #tpu.memory_space<hbm>>) dst(%arg11 : memref<128x128xf32, #tpu.memory_space<vmem>>)
      %add3A_201 = arith.constant 0 : i32
      %add3A_202 = arith.addi %mul3A_197, %add3A_201 : i32
      %add3A_203 = arith.constant 1 : i32
      %add3A_204 = arith.addi %add3A_202, %add3A_203 : i32
      %mul3A_205 = arith.constant 128 : i32
      %mul3A_206 = arith.muli %add3A_204, %mul3A_205 : i32
      %add3A_207 = arith.addi %mul3A_2, %mul3A_206 : i32
      %dma_wait3A_208 = tpu.memref_slice %arg3[%add3A_207] : memref<327680xi32, #tpu.memory_space<hbm>> -> memref<128xi32, #tpu.memory_space<hbm>>
      %dma_wait3A_209 = tpu.memref_slice %arg3[%add3A_207] : memref<327680xi32, #tpu.memory_space<hbm>> -> memref<128xi32, #tpu.memory_space<hbm>>
      tpu.wait_dma2 semaphore(%arg18 : memref<!tpu.dma_semaphore, #tpu.memory_space<semaphore_mem>>) src(%dma_wait3A_209 : memref<128xi32, #tpu.memory_space<hbm>>) dst(%arg8 : memref<128xi32, #tpu.memory_space<vmem>>)
      %mul3A_210 = arith.constant 128 : i32
      %mul3A_211 = arith.muli %add3A_204, %mul3A_210 : i32
      %add3A_212 = arith.addi %mul3A_2, %mul3A_211 : i32
      %dma_wait3A_213 = tpu.memref_slice %arg4[%add3A_212] : memref<327680xi32, #tpu.memory_space<hbm>> -> memref<128xi32, #tpu.memory_space<hbm>>
      %dma_wait3A_214 = tpu.memref_slice %arg4[%add3A_212] : memref<327680xi32, #tpu.memory_space<hbm>> -> memref<128xi32, #tpu.memory_space<hbm>>
      tpu.wait_dma2 semaphore(%arg18 : memref<!tpu.dma_semaphore, #tpu.memory_space<semaphore_mem>>) src(%dma_wait3A_214 : memref<128xi32, #tpu.memory_space<hbm>>) dst(%arg10 : memref<128xi32, #tpu.memory_space<vmem>>)
      %dma_start3A_215 = arith.constant 0 : i32
      %dma_start3A_216 = arith.constant 0 : i32
      %dma_start3A_217 = tpu.memref_slice %arg2[%dma_start3A_215, %dma_start3A_216] : memref<10000x128xf32, #tpu.memory_space<hbm>> -> memref<10000x128xf32, #tpu.memory_space<hbm>>
      tpu.enqueue_indirect_dma source(%dma_start3A_217 : memref<10000x128xf32, #tpu.memory_space<hbm>>) target(%arg12 : memref<128x128xf32, #tpu.memory_space<vmem>>) offsets(%arg8 : memref<128xi32, #tpu.memory_space<vmem>>) semaphore(%arg16 : memref<!tpu.dma_semaphore, #tpu.memory_space<semaphore_mem>>)
      "tpu.region"() ({
        %run_scoped3A = tpu.sem_alloc : memref<!tpu.dma_semaphore, #tpu.memory_space<semaphore_mem>>
        %dma_start3A_276 = arith.constant 0 : i32
        %dma_start3A_277 = arith.constant 0 : i32
        %dma_start3A_278 = tpu.memref_slice %arg14[%dma_start3A_276, %dma_start3A_277] : memref<10240x128xf32, #tpu.memory_space<vmem_shared>> -> memref<10240x128xf32, #tpu.memory_space<vmem_shared>>
        tpu.enqueue_indirect_dma source(%arg11 : memref<128x128xf32, #tpu.memory_space<vmem>>) target(%dma_start3A_278 : memref<10240x128xf32, #tpu.memory_space<vmem_shared>>) offsets(%arg9 : memref<128xi32, #tpu.memory_space<vmem>>) semaphore(%run_scoped3A : memref<!tpu.dma_semaphore, #tpu.memory_space<semaphore_mem>>) {add = true}
        %dma_wait3A_279 = arith.constant 0 : i32
        %dma_wait3A_280 = arith.constant 0 : i32
        %dma_wait3A_281 = tpu.memref_slice %arg14[%dma_wait3A_279, %dma_wait3A_280] : memref<10240x128xf32, #tpu.memory_space<vmem_shared>> -> memref<10240x128xf32, #tpu.memory_space<vmem_shared>>
        tpu.wait_indirect_dma semaphore(%run_scoped3A : memref<!tpu.dma_semaphore, #tpu.memory_space<semaphore_mem>>) src(%arg11 : memref<128x128xf32, #tpu.memory_space<vmem>>) dst(%dma_wait3A_281 : memref<10240x128xf32, #tpu.memory_space<vmem_shared>>)
        tpu.yield
      }) : () -> ()
      %scan3A_218 = arith.constant 0 : i32
      %scan3A_219 = arith.constant 8 : i32
      %scan3A_220 = arith.addi %scan3A_218, %scan3A_219 : i32
      %scan3A_221 = arith.constant 1 : i32
      scf.for %scan3A_276 = %scan3A_218 to %scan3A_220 step %scan3A_221  : i32 {
        %mul3A_277 = arith.constant 16 : i32
        %mul3A_278 = arith.muli %scan3A_276, %mul3A_277 : i32
        %add3A_279 = arith.constant 0 : i32
        %add3A_280 = arith.addi %add3A_279, %mul3A_278 : i32
        %get3A = arith.index_cast %add3A_280 : i32 to index
        %get3A_281 = tpu.vector_load %arg9[%get3A] {strides = array<i32>} : memref<128xi32, #tpu.memory_space<vmem>>, vector<16xi32>,
        tpu.vector_store_idx %arg13[%get3A_281], %broadcast_in_dim3A_32 {add = true} : memref<10240xf32, #tpu.memory_space<vmem>>[vector<16xi32>], vector<16xf32>,
      }
      %scan3A_222 = arith.constant 8 : i32
      %add3A_223 = arith.constant 0 : i32
      %add3A_224 = arith.addi %mul3A_197, %add3A_223 : i32
      %add3A_225 = arith.constant 2 : i32
      %add3A_226 = arith.addi %add3A_224, %add3A_225 : i32
      %mul3A_227 = arith.constant 128 : i32
      %mul3A_228 = arith.muli %add3A_226, %mul3A_227 : i32
      %add3A_229 = arith.addi %mul3A_2, %mul3A_228 : i32
      %dma_start3A_230 = tpu.memref_slice %arg3[%add3A_229] : memref<327680xi32, #tpu.memory_space<hbm>> -> memref<128xi32, #tpu.memory_space<hbm>>
      %dma_start3A_231 = tpu.memref_slice %arg3[%add3A_229] : memref<327680xi32, #tpu.memory_space<hbm>> -> memref<128xi32, #tpu.memory_space<hbm>>
      tpu.enqueue_dma source(%dma_start3A_231 : memref<128xi32, #tpu.memory_space<hbm>>) target(%arg7 : memref<128xi32, #tpu.memory_space<vmem>>) target_semaphore(%arg17 : memref<!tpu.dma_semaphore, #tpu.memory_space<semaphore_mem>>)
      %mul3A_232 = arith.constant 128 : i32
      %mul3A_233 = arith.muli %add3A_226, %mul3A_232 : i32
      %add3A_234 = arith.addi %mul3A_2, %mul3A_233 : i32
      %dma_start3A_235 = tpu.memref_slice %arg4[%add3A_234] : memref<327680xi32, #tpu.memory_space<hbm>> -> memref<128xi32, #tpu.memory_space<hbm>>
      %dma_start3A_236 = tpu.memref_slice %arg4[%add3A_234] : memref<327680xi32, #tpu.memory_space<hbm>> -> memref<128xi32, #tpu.memory_space<hbm>>
      tpu.enqueue_dma source(%dma_start3A_236 : memref<128xi32, #tpu.memory_space<hbm>>) target(%arg9 : memref<128xi32, #tpu.memory_space<vmem>>) target_semaphore(%arg17 : memref<!tpu.dma_semaphore, #tpu.memory_space<semaphore_mem>>)
      %dma_wait3A_237 = arith.constant 0 : i32
      %dma_wait3A_238 = arith.constant 0 : i32
      %dma_wait3A_239 = tpu.memref_slice %arg2[%dma_wait3A_237, %dma_wait3A_238] : memref<10000x128xf32, #tpu.memory_space<hbm>> -> memref<10000x128xf32, #tpu.memory_space<hbm>>
      tpu.wait_indirect_dma semaphore(%arg16 : memref<!tpu.dma_semaphore, #tpu.memory_space<semaphore_mem>>) src(%dma_wait3A_239 : memref<10000x128xf32, #tpu.memory_space<hbm>>) dst(%arg12 : memref<128x128xf32, #tpu.memory_space<vmem>>)
      %add3A_240 = arith.constant 1 : i32
      %add3A_241 = arith.addi %mul3A_197, %add3A_240 : i32
      %add3A_242 = arith.constant 1 : i32
      %add3A_243 = arith.addi %add3A_241, %add3A_242 : i32
      %mul3A_244 = arith.constant 128 : i32
      %mul3A_245 = arith.muli %add3A_243, %mul3A_244 : i32
      %add3A_246 = arith.addi %mul3A_2, %mul3A_245 : i32
      %dma_wait3A_247 = tpu.memref_slice %arg3[%add3A_246] : memref<327680xi32, #tpu.memory_space<hbm>> -> memref<128xi32, #tpu.memory_space<hbm>>
      %dma_wait3A_248 = tpu.memref_slice %arg3[%add3A_246] : memref<327680xi32, #tpu.memory_space<hbm>> -> memref<128xi32, #tpu.memory_space<hbm>>
      tpu.wait_dma2 semaphore(%arg17 : memref<!tpu.dma_semaphore, #tpu.memory_space<semaphore_mem>>) src(%dma_wait3A_248 : memref<128xi32, #tpu.memory_space<hbm>>) dst(%arg7 : memref<128xi32, #tpu.memory_space<vmem>>)
      %mul3A_249 = arith.constant 128 : i32
      %mul3A_250 = arith.muli %add3A_243, %mul3A_249 : i32
      %add3A_251 = arith.addi %mul3A_2, %mul3A_250 : i32
      %dma_wait3A_252 = tpu.memref_slice %arg4[%add3A_251] : memref<327680xi32, #tpu.memory_space<hbm>> -> memref<128xi32, #tpu.memory_space<hbm>>
      %dma_wait3A_253 = tpu.memref_slice %arg4[%add3A_251] : memref<327680xi32, #tpu.memory_space<hbm>> -> memref<128xi32, #tpu.memory_space<hbm>>
      tpu.wait_dma2 semaphore(%arg17 : memref<!tpu.dma_semaphore, #tpu.memory_space<semaphore_mem>>) src(%dma_wait3A_253 : memref<128xi32, #tpu.memory_space<hbm>>) dst(%arg9 : memref<128xi32, #tpu.memory_space<vmem>>)
      %dma_start3A_254 = arith.constant 0 : i32
      %dma_start3A_255 = arith.constant 0 : i32
      %dma_start3A_256 = tpu.memref_slice %arg2[%dma_start3A_254, %dma_start3A_255] : memref<10000x128xf32, #tpu.memory_space<hbm>> -> memref<10000x128xf32, #tpu.memory_space<hbm>>
      tpu.enqueue_indirect_dma source(%dma_start3A_256 : memref<10000x128xf32, #tpu.memory_space<hbm>>) target(%arg11 : memref<128x128xf32, #tpu.memory_space<vmem>>) offsets(%arg7 : memref<128xi32, #tpu.memory_space<vmem>>) semaphore(%arg15 : memref<!tpu.dma_semaphore, #tpu.memory_space<semaphore_mem>>)
      "tpu.region"() ({
        %run_scoped3A = tpu.sem_alloc : memref<!tpu.dma_semaphore, #tpu.memory_space<semaphore_mem>>
        %dma_start3A_276 = arith.constant 0 : i32
        %dma_start3A_277 = arith.constant 0 : i32
        %dma_start3A_278 = tpu.memref_slice %arg14[%dma_start3A_276, %dma_start3A_277] : memref<10240x128xf32, #tpu.memory_space<vmem_shared>> -> memref<10240x128xf32, #tpu.memory_space<vmem_shared>>
        tpu.enqueue_indirect_dma source(%arg12 : memref<128x128xf32, #tpu.memory_space<vmem>>) target(%dma_start3A_278 : memref<10240x128xf32, #tpu.memory_space<vmem_shared>>) offsets(%arg10 : memref<128xi32, #tpu.memory_space<vmem>>) semaphore(%run_scoped3A : memref<!tpu.dma_semaphore, #tpu.memory_space<semaphore_mem>>) {add = true}
        %dma_wait3A_279 = arith.constant 0 : i32
        %dma_wait3A_280 = arith.constant 0 : i32
        %dma_wait3A_281 = tpu.memref_slice %arg14[%dma_wait3A_279, %dma_wait3A_280] : memref<10240x128xf32, #tpu.memory_space<vmem_shared>> -> memref<10240x128xf32, #tpu.memory_space<vmem_shared>>
        tpu.wait_indirect_dma semaphore(%run_scoped3A : memref<!tpu.dma_semaphore, #tpu.memory_space<semaphore_mem>>) src(%arg12 : memref<128x128xf32, #tpu.memory_space<vmem>>) dst(%dma_wait3A_281 : memref<10240x128xf32, #tpu.memory_space<vmem_shared>>)
        tpu.yield
      }) : () -> ()
      %scan3A_257 = arith.constant 0 : i32
      %scan3A_258 = arith.constant 8 : i32
      %scan3A_259 = arith.addi %scan3A_257, %scan3A_258 : i32
      %scan3A_260 = arith.constant 1 : i32
      scf.for %scan3A_276 = %scan3A_257 to %scan3A_259 step %scan3A_260  : i32 {
        %mul3A_277 = arith.constant 16 : i32
        %mul3A_278 = arith.muli %scan3A_276, %mul3A_277 : i32
        %add3A_279 = arith.constant 0 : i32
        %add3A_280 = arith.addi %add3A_279, %mul3A_278 : i32
        %get3A = arith.index_cast %add3A_280 : i32 to index
        %get3A_281 = tpu.vector_load %arg10[%get3A] {strides = array<i32>} : memref<128xi32, #tpu.memory_space<vmem>>, vector<16xi32>,
        tpu.vector_store_idx %arg13[%get3A_281], %broadcast_in_dim3A_32 {add = true} : memref<10240xf32, #tpu.memory_space<vmem>>[vector<16xi32>], vector<16xf32>,
      }
      %scan3A_261 = arith.constant 8 : i32
      %add3A_262 = arith.constant 1 : i32
      %add3A_263 = arith.addi %mul3A_197, %add3A_262 : i32
      %add3A_264 = arith.constant 2 : i32
      %add3A_265 = arith.addi %add3A_263, %add3A_264 : i32
      %mul3A_266 = arith.constant 128 : i32
      %mul3A_267 = arith.muli %add3A_265, %mul3A_266 : i32
      %add3A_268 = arith.addi %mul3A_2, %mul3A_267 : i32
      %dma_start3A_269 = tpu.memref_slice %arg3[%add3A_268] : memref<327680xi32, #tpu.memory_space<hbm>> -> memref<128xi32, #tpu.memory_space<hbm>>
      %dma_start3A_270 = tpu.memref_slice %arg3[%add3A_268] : memref<327680xi32, #tpu.memory_space<hbm>> -> memref<128xi32, #tpu.memory_space<hbm>>
      tpu.enqueue_dma source(%dma_start3A_270 : memref<128xi32, #tpu.memory_space<hbm>>) target(%arg8 : memref<128xi32, #tpu.memory_space<vmem>>) target_semaphore(%arg18 : memref<!tpu.dma_semaphore, #tpu.memory_space<semaphore_mem>>)
      %mul3A_271 = arith.constant 128 : i32
      %mul3A_272 = arith.muli %add3A_265, %mul3A_271 : i32
      %add3A_273 = arith.addi %mul3A_2, %mul3A_272 : i32
      %dma_start3A_274 = tpu.memref_slice %arg4[%add3A_273] : memref<327680xi32, #tpu.memory_space<hbm>> -> memref<128xi32, #tpu.memory_space<hbm>>
      %dma_start3A_275 = tpu.memref_slice %arg4[%add3A_273] : memref<327680xi32, #tpu.memory_space<hbm>> -> memref<128xi32, #tpu.memory_space<hbm>>
      tpu.enqueue_dma source(%dma_start3A_275 : memref<128xi32, #tpu.memory_space<hbm>>) target(%arg10 : memref<128xi32, #tpu.memory_space<vmem>>) target_semaphore(%arg18 : memref<!tpu.dma_semaphore, #tpu.memory_space<semaphore_mem>>)
    }
    %scan3A_62 = arith.constant 39 : i32
    %dma_wait3A_63 = arith.constant 0 : i32
    %dma_wait3A_64 = arith.constant 0 : i32
    %dma_wait3A_65 = tpu.memref_slice %arg2[%dma_wait3A_63, %dma_wait3A_64] : memref<10000x128xf32, #tpu.memory_space<hbm>> -> memref<10000x128xf32, #tpu.memory_space<hbm>>
    tpu.wait_indirect_dma semaphore(%arg15 : memref<!tpu.dma_semaphore, #tpu.memory_space<semaphore_mem>>) src(%dma_wait3A_65 : memref<10000x128xf32, #tpu.memory_space<hbm>>) dst(%arg11 : memref<128x128xf32, #tpu.memory_space<vmem>>)
    %add3A_66 = arith.constant 10112 : i32
    %add3A_67 = arith.addi %mul3A_2, %add3A_66 : i32
    %dma_wait3A_68 = tpu.memref_slice %arg3[%add3A_67] : memref<327680xi32, #tpu.memory_space<hbm>> -> memref<128xi32, #tpu.memory_space<hbm>>
    %dma_wait3A_69 = tpu.memref_slice %arg3[%add3A_67] : memref<327680xi32, #tpu.memory_space<hbm>> -> memref<128xi32, #tpu.memory_space<hbm>>
    tpu.wait_dma2 semaphore(%arg18 : memref<!tpu.dma_semaphore, #tpu.memory_space<semaphore_mem>>) src(%dma_wait3A_69 : memref<128xi32, #tpu.memory_space<hbm>>) dst(%arg8 : memref<128xi32, #tpu.memory_space<vmem>>)
    %add3A_70 = arith.constant 10112 : i32
    %add3A_71 = arith.addi %mul3A_2, %add3A_70 : i32
    %dma_wait3A_72 = tpu.memref_slice %arg4[%add3A_71] : memref<327680xi32, #tpu.memory_space<hbm>> -> memref<128xi32, #tpu.memory_space<hbm>>
    %dma_wait3A_73 = tpu.memref_slice %arg4[%add3A_71] : memref<327680xi32, #tpu.memory_space<hbm>> -> memref<128xi32, #tpu.memory_space<hbm>>
    tpu.wait_dma2 semaphore(%arg18 : memref<!tpu.dma_semaphore, #tpu.memory_space<semaphore_mem>>) src(%dma_wait3A_73 : memref<128xi32, #tpu.memory_space<hbm>>) dst(%arg10 : memref<128xi32, #tpu.memory_space<vmem>>)
    %dma_start3A_74 = arith.constant 0 : i32
    %dma_start3A_75 = arith.constant 0 : i32
    %dma_start3A_76 = tpu.memref_slice %arg2[%dma_start3A_74, %dma_start3A_75] : memref<10000x128xf32, #tpu.memory_space<hbm>> -> memref<10000x128xf32, #tpu.memory_space<hbm>>
    tpu.enqueue_indirect_dma source(%dma_start3A_76 : memref<10000x128xf32, #tpu.memory_space<hbm>>) target(%arg12 : memref<128x128xf32, #tpu.memory_space<vmem>>) offsets(%arg8 : memref<128xi32, #tpu.memory_space<vmem>>) semaphore(%arg16 : memref<!tpu.dma_semaphore, #tpu.memory_space<semaphore_mem>>)
    "tpu.region"() ({
      %run_scoped3A = tpu.sem_alloc : memref<!tpu.dma_semaphore, #tpu.memory_space<semaphore_mem>>
      %dma_start3A_191 = arith.constant 0 : i32
      %dma_start3A_192 = arith.constant 0 : i32
      %dma_start3A_193 = tpu.memref_slice %arg14[%dma_start3A_191, %dma_start3A_192] : memref<10240x128xf32, #tpu.memory_space<vmem_shared>> -> memref<10240x128xf32, #tpu.memory_space<vmem_shared>>
      tpu.enqueue_indirect_dma source(%arg11 : memref<128x128xf32, #tpu.memory_space<vmem>>) target(%dma_start3A_193 : memref<10240x128xf32, #tpu.memory_space<vmem_shared>>) offsets(%arg9 : memref<128xi32, #tpu.memory_space<vmem>>) semaphore(%run_scoped3A : memref<!tpu.dma_semaphore, #tpu.memory_space<semaphore_mem>>) {add = true}
      %dma_wait3A_194 = arith.constant 0 : i32
      %dma_wait3A_195 = arith.constant 0 : i32
      %dma_wait3A_196 = tpu.memref_slice %arg14[%dma_wait3A_194, %dma_wait3A_195] : memref<10240x128xf32, #tpu.memory_space<vmem_shared>> -> memref<10240x128xf32, #tpu.memory_space<vmem_shared>>
      tpu.wait_indirect_dma semaphore(%run_scoped3A : memref<!tpu.dma_semaphore, #tpu.memory_space<semaphore_mem>>) src(%arg11 : memref<128x128xf32, #tpu.memory_space<vmem>>) dst(%dma_wait3A_196 : memref<10240x128xf32, #tpu.memory_space<vmem_shared>>)
      tpu.yield
    }) : () -> ()
    %scan3A_77 = arith.constant 0 : i32
    %scan3A_78 = arith.constant 8 : i32
    %scan3A_79 = arith.addi %scan3A_77, %scan3A_78 : i32
    %scan3A_80 = arith.constant 1 : i32
    scf.for %scan3A_191 = %scan3A_77 to %scan3A_79 step %scan3A_80  : i32 {
      %mul3A_192 = arith.constant 16 : i32
      %mul3A_193 = arith.muli %scan3A_191, %mul3A_192 : i32
      %add3A_194 = arith.constant 0 : i32
      %add3A_195 = arith.addi %add3A_194, %mul3A_193 : i32
      %get3A = arith.index_cast %add3A_195 : i32 to index
      %get3A_196 = tpu.vector_load %arg9[%get3A] {strides = array<i32>} : memref<128xi32, #tpu.memory_space<vmem>>, vector<16xi32>,
      tpu.vector_store_idx %arg13[%get3A_196], %broadcast_in_dim3A_32 {add = true} : memref<10240xf32, #tpu.memory_space<vmem>>[vector<16xi32>], vector<16xf32>,
    }
    %scan3A_81 = arith.constant 8 : i32
    %dma_wait3A_82 = arith.constant 0 : i32
    %dma_wait3A_83 = arith.constant 0 : i32
    %dma_wait3A_84 = tpu.memref_slice %arg2[%dma_wait3A_82, %dma_wait3A_83] : memref<10000x128xf32, #tpu.memory_space<hbm>> -> memref<10000x128xf32, #tpu.memory_space<hbm>>
    tpu.wait_indirect_dma semaphore(%arg16 : memref<!tpu.dma_semaphore, #tpu.memory_space<semaphore_mem>>) src(%dma_wait3A_84 : memref<10000x128xf32, #tpu.memory_space<hbm>>) dst(%arg12 : memref<128x128xf32, #tpu.memory_space<vmem>>)
    "tpu.region"() ({
      %run_scoped3A = tpu.sem_alloc : memref<!tpu.dma_semaphore, #tpu.memory_space<semaphore_mem>>
      %dma_start3A_191 = arith.constant 0 : i32
      %dma_start3A_192 = arith.constant 0 : i32
      %dma_start3A_193 = tpu.memref_slice %arg14[%dma_start3A_191, %dma_start3A_192] : memref<10240x128xf32, #tpu.memory_space<vmem_shared>> -> memref<10240x128xf32, #tpu.memory_space<vmem_shared>>
      tpu.enqueue_indirect_dma source(%arg12 : memref<128x128xf32, #tpu.memory_space<vmem>>) target(%dma_start3A_193 : memref<10240x128xf32, #tpu.memory_space<vmem_shared>>) offsets(%arg10 : memref<128xi32, #tpu.memory_space<vmem>>) semaphore(%run_scoped3A : memref<!tpu.dma_semaphore, #tpu.memory_space<semaphore_mem>>) {add = true}
      %dma_wait3A_194 = arith.constant 0 : i32
      %dma_wait3A_195 = arith.constant 0 : i32
      %dma_wait3A_196 = tpu.memref_slice %arg14[%dma_wait3A_194, %dma_wait3A_195] : memref<10240x128xf32, #tpu.memory_space<vmem_shared>> -> memref<10240x128xf32, #tpu.memory_space<vmem_shared>>
      tpu.wait_indirect_dma semaphore(%run_scoped3A : memref<!tpu.dma_semaphore, #tpu.memory_space<semaphore_mem>>) src(%arg12 : memref<128x128xf32, #tpu.memory_space<vmem>>) dst(%dma_wait3A_196 : memref<10240x128xf32, #tpu.memory_space<vmem_shared>>)
      tpu.yield
    }) : () -> ()
    %scan3A_85 = arith.constant 0 : i32
    %scan3A_86 = arith.constant 8 : i32
    %scan3A_87 = arith.addi %scan3A_85, %scan3A_86 : i32
    %scan3A_88 = arith.constant 1 : i32
    scf.for %scan3A_191 = %scan3A_85 to %scan3A_87 step %scan3A_88  : i32 {
      %mul3A_192 = arith.constant 16 : i32
      %mul3A_193 = arith.muli %scan3A_191, %mul3A_192 : i32
      %add3A_194 = arith.constant 0 : i32
      %add3A_195 = arith.addi %add3A_194, %mul3A_193 : i32
      %get3A = arith.index_cast %add3A_195 : i32 to index
      %get3A_196 = tpu.vector_load %arg10[%get3A] {strides = array<i32>} : memref<128xi32, #tpu.memory_space<vmem>>, vector<16xi32>,
      tpu.vector_store_idx %arg13[%get3A_196], %broadcast_in_dim3A_32 {add = true} : memref<10240xf32, #tpu.memory_space<vmem>>[vector<16xi32>], vector<16xf32>,
    }
    %scan3A_89 = arith.constant 8 : i32
    %barrier3A_90 = arith.constant 0 : index
    tpu.barrier barrier_id(%barrier3A_90)
    %mul3A_91 = arith.constant 640 : i32
    %mul3A_92 = arith.muli %arg1, %mul3A_91 : i32
    %add3A_93 = arith.constant 0 : i32
    %add3A_94 = arith.addi %mul3A_92, %add3A_93 : i32
    "tpu.region"() ({
      %run_scoped3A = tpu.sem_alloc : memref<!tpu.dma_semaphore, #tpu.memory_space<semaphore_mem>>
      %dma_start3A_191 = arith.constant 0 : i32
      %dma_start3A_192 = tpu.memref_slice %arg14[%add3A_94, %dma_start3A_191] : memref<10240x128xf32, #tpu.memory_space<vmem_shared>> -> memref<128x128xf32, #tpu.memory_space<vmem_shared>>
      %dma_start3A_193 = arith.constant 0 : i32
      %dma_start3A_194 = tpu.memref_slice %arg14[%add3A_94, %dma_start3A_193] : memref<10240x128xf32, #tpu.memory_space<vmem_shared>> -> memref<128x128xf32, #tpu.memory_space<vmem_shared>>
      tpu.enqueue_dma source(%dma_start3A_194 : memref<128x128xf32, #tpu.memory_space<vmem_shared>>) target(%arg11 : memref<128x128xf32, #tpu.memory_space<vmem>>) target_semaphore(%run_scoped3A : memref<!tpu.dma_semaphore, #tpu.memory_space<semaphore_mem>>)
      %dma_wait3A_195 = arith.constant 0 : i32
      %dma_wait3A_196 = tpu.memref_slice %arg14[%add3A_94, %dma_wait3A_195] : memref<10240x128xf32, #tpu.memory_space<vmem_shared>> -> memref<128x128xf32, #tpu.memory_space<vmem_shared>>
      %dma_wait3A_197 = arith.constant 0 : i32
      %dma_wait3A_198 = tpu.memref_slice %arg14[%add3A_94, %dma_wait3A_197] : memref<10240x128xf32, #tpu.memory_space<vmem_shared>> -> memref<128x128xf32, #tpu.memory_space<vmem_shared>>
      tpu.wait_dma2 semaphore(%run_scoped3A : memref<!tpu.dma_semaphore, #tpu.memory_space<semaphore_mem>>) src(%dma_wait3A_198 : memref<128x128xf32, #tpu.memory_space<vmem_shared>>) dst(%arg11 : memref<128x128xf32, #tpu.memory_space<vmem>>)
      tpu.yield
    }) : () -> ()
    %dma_start3A_95 = arith.constant 0 : i32
    %dma_start3A_96 = tpu.memref_slice %arg5[%arg0, %add3A_94, %dma_start3A_95] : memref<2x10240x128xf32, #tpu.memory_space<hbm>> -> memref<1x128x128xf32, #tpu.memory_space<hbm>>
    %dma_start3A_97 = tpu.memref_squeeze %dma_start3A_96 : memref<1x128x128xf32, #tpu.memory_space<hbm>> -> memref<128x128xf32, #tpu.memory_space<hbm>>
    %dma_start3A_98 = arith.constant 0 : i32
    %dma_start3A_99 = tpu.memref_slice %arg5[%arg0, %add3A_94, %dma_start3A_98] : memref<2x10240x128xf32, #tpu.memory_space<hbm>> -> memref<1x128x128xf32, #tpu.memory_space<hbm>>
    %dma_start3A_100 = tpu.memref_squeeze %dma_start3A_99 : memref<1x128x128xf32, #tpu.memory_space<hbm>> -> memref<128x128xf32, #tpu.memory_space<hbm>>
    tpu.enqueue_dma source(%arg11 : memref<128x128xf32, #tpu.memory_space<vmem>>) target(%dma_start3A_100 : memref<128x128xf32, #tpu.memory_space<hbm>>) target_semaphore(%arg15 : memref<!tpu.dma_semaphore, #tpu.memory_space<semaphore_mem>>)
    %mul3A_101 = arith.constant 640 : i32
    %mul3A_102 = arith.muli %arg1, %mul3A_101 : i32
    %add3A_103 = arith.constant 128 : i32
    %add3A_104 = arith.addi %mul3A_102, %add3A_103 : i32
    "tpu.region"() ({
      %run_scoped3A = tpu.sem_alloc : memref<!tpu.dma_semaphore, #tpu.memory_space<semaphore_mem>>
      %dma_start3A_191 = arith.constant 0 : i32
      %dma_start3A_192 = tpu.memref_slice %arg14[%add3A_104, %dma_start3A_191] : memref<10240x128xf32, #tpu.memory_space<vmem_shared>> -> memref<128x128xf32, #tpu.memory_space<vmem_shared>>
      %dma_start3A_193 = arith.constant 0 : i32
      %dma_start3A_194 = tpu.memref_slice %arg14[%add3A_104, %dma_start3A_193] : memref<10240x128xf32, #tpu.memory_space<vmem_shared>> -> memref<128x128xf32, #tpu.memory_space<vmem_shared>>
      tpu.enqueue_dma source(%dma_start3A_194 : memref<128x128xf32, #tpu.memory_space<vmem_shared>>) target(%arg12 : memref<128x128xf32, #tpu.memory_space<vmem>>) target_semaphore(%run_scoped3A : memref<!tpu.dma_semaphore, #tpu.memory_space<semaphore_mem>>)
      %dma_wait3A_195 = arith.constant 0 : i32
      %dma_wait3A_196 = tpu.memref_slice %arg14[%add3A_104, %dma_wait3A_195] : memref<10240x128xf32, #tpu.memory_space<vmem_shared>> -> memref<128x128xf32, #tpu.memory_space<vmem_shared>>
      %dma_wait3A_197 = arith.constant 0 : i32
      %dma_wait3A_198 = tpu.memref_slice %arg14[%add3A_104, %dma_wait3A_197] : memref<10240x128xf32, #tpu.memory_space<vmem_shared>> -> memref<128x128xf32, #tpu.memory_space<vmem_shared>>
      tpu.wait_dma2 semaphore(%run_scoped3A : memref<!tpu.dma_semaphore, #tpu.memory_space<semaphore_mem>>) src(%dma_wait3A_198 : memref<128x128xf32, #tpu.memory_space<vmem_shared>>) dst(%arg12 : memref<128x128xf32, #tpu.memory_space<vmem>>)
      tpu.yield
    }) : () -> ()
    %dma_start3A_105 = arith.constant 0 : i32
    %dma_start3A_106 = tpu.memref_slice %arg5[%arg0, %add3A_104, %dma_start3A_105] : memref<2x10240x128xf32, #tpu.memory_space<hbm>> -> memref<1x128x128xf32, #tpu.memory_space<hbm>>
    %dma_start3A_107 = tpu.memref_squeeze %dma_start3A_106 : memref<1x128x128xf32, #tpu.memory_space<hbm>> -> memref<128x128xf32, #tpu.memory_space<hbm>>
    %dma_start3A_108 = arith.constant 0 : i32
    %dma_start3A_109 = tpu.memref_slice %arg5[%arg0, %add3A_104, %dma_start3A_108] : memref<2x10240x128xf32, #tpu.memory_space<hbm>> -> memref<1x128x128xf32, #tpu.memory_space<hbm>>
    %dma_start3A_110 = tpu.memref_squeeze %dma_start3A_109 : memref<1x128x128xf32, #tpu.memory_space<hbm>> -> memref<128x128xf32, #tpu.memory_space<hbm>>
    tpu.enqueue_dma source(%arg12 : memref<128x128xf32, #tpu.memory_space<vmem>>) target(%dma_start3A_110 : memref<128x128xf32, #tpu.memory_space<hbm>>) target_semaphore(%arg16 : memref<!tpu.dma_semaphore, #tpu.memory_space<semaphore_mem>>)
    %mul3A_111 = arith.constant 640 : i32
    %mul3A_112 = arith.muli %arg1, %mul3A_111 : i32
    %add3A_113 = arith.constant 256 : i32
    %add3A_114 = arith.addi %mul3A_112, %add3A_113 : i32
    %mul3A_115 = arith.constant 640 : i32
    %mul3A_116 = arith.muli %arg1, %mul3A_115 : i32
    %add3A_117 = arith.constant 0 : i32
    %add3A_118 = arith.addi %mul3A_116, %add3A_117 : i32
    %dma_wait3A_119 = arith.constant 0 : i32
    %dma_wait3A_120 = tpu.memref_slice %arg5[%arg0, %add3A_118, %dma_wait3A_119] : memref<2x10240x128xf32, #tpu.memory_space<hbm>> -> memref<1x128x128xf32, #tpu.memory_space<hbm>>
    %dma_wait3A_121 = tpu.memref_squeeze %dma_wait3A_120 : memref<1x128x128xf32, #tpu.memory_space<hbm>> -> memref<128x128xf32, #tpu.memory_space<hbm>>
    %dma_wait3A_122 = arith.constant 0 : i32
    %dma_wait3A_123 = tpu.memref_slice %arg5[%arg0, %add3A_118, %dma_wait3A_122] : memref<2x10240x128xf32, #tpu.memory_space<hbm>> -> memref<1x128x128xf32, #tpu.memory_space<hbm>>
    %dma_wait3A_124 = tpu.memref_squeeze %dma_wait3A_123 : memref<1x128x128xf32, #tpu.memory_space<hbm>> -> memref<128x128xf32, #tpu.memory_space<hbm>>
    tpu.wait_dma2 semaphore(%arg15 : memref<!tpu.dma_semaphore, #tpu.memory_space<semaphore_mem>>) src(%arg11 : memref<128x128xf32, #tpu.memory_space<vmem>>) dst(%dma_wait3A_124 : memref<128x128xf32, #tpu.memory_space<hbm>>)
    "tpu.region"() ({
      %run_scoped3A = tpu.sem_alloc : memref<!tpu.dma_semaphore, #tpu.memory_space<semaphore_mem>>
      %dma_start3A_191 = arith.constant 0 : i32
      %dma_start3A_192 = tpu.memref_slice %arg14[%add3A_114, %dma_start3A_191] : memref<10240x128xf32, #tpu.memory_space<vmem_shared>> -> memref<128x128xf32, #tpu.memory_space<vmem_shared>>
      %dma_start3A_193 = arith.constant 0 : i32
      %dma_start3A_194 = tpu.memref_slice %arg14[%add3A_114, %dma_start3A_193] : memref<10240x128xf32, #tpu.memory_space<vmem_shared>> -> memref<128x128xf32, #tpu.memory_space<vmem_shared>>
      tpu.enqueue_dma source(%dma_start3A_194 : memref<128x128xf32, #tpu.memory_space<vmem_shared>>) target(%arg11 : memref<128x128xf32, #tpu.memory_space<vmem>>) target_semaphore(%run_scoped3A : memref<!tpu.dma_semaphore, #tpu.memory_space<semaphore_mem>>)
      %dma_wait3A_195 = arith.constant 0 : i32
      %dma_wait3A_196 = tpu.memref_slice %arg14[%add3A_114, %dma_wait3A_195] : memref<10240x128xf32, #tpu.memory_space<vmem_shared>> -> memref<128x128xf32, #tpu.memory_space<vmem_shared>>
      %dma_wait3A_197 = arith.constant 0 : i32
      %dma_wait3A_198 = tpu.memref_slice %arg14[%add3A_114, %dma_wait3A_197] : memref<10240x128xf32, #tpu.memory_space<vmem_shared>> -> memref<128x128xf32, #tpu.memory_space<vmem_shared>>
      tpu.wait_dma2 semaphore(%run_scoped3A : memref<!tpu.dma_semaphore, #tpu.memory_space<semaphore_mem>>) src(%dma_wait3A_198 : memref<128x128xf32, #tpu.memory_space<vmem_shared>>) dst(%arg11 : memref<128x128xf32, #tpu.memory_space<vmem>>)
      tpu.yield
    }) : () -> ()
    %dma_start3A_125 = arith.constant 0 : i32
    %dma_start3A_126 = tpu.memref_slice %arg5[%arg0, %add3A_114, %dma_start3A_125] : memref<2x10240x128xf32, #tpu.memory_space<hbm>> -> memref<1x128x128xf32, #tpu.memory_space<hbm>>
    %dma_start3A_127 = tpu.memref_squeeze %dma_start3A_126 : memref<1x128x128xf32, #tpu.memory_space<hbm>> -> memref<128x128xf32, #tpu.memory_space<hbm>>
    %dma_start3A_128 = arith.constant 0 : i32
    %dma_start3A_129 = tpu.memref_slice %arg5[%arg0, %add3A_114, %dma_start3A_128] : memref<2x10240x128xf32, #tpu.memory_space<hbm>> -> memref<1x128x128xf32, #tpu.memory_space<hbm>>
    %dma_start3A_130 = tpu.memref_squeeze %dma_start3A_129 : memref<1x128x128xf32, #tpu.memory_space<hbm>> -> memref<128x128xf32, #tpu.memory_space<hbm>>
    tpu.enqueue_dma source(%arg11 : memref<128x128xf32, #tpu.memory_space<vmem>>) target(%dma_start3A_130 : memref<128x128xf32, #tpu.memory_space<hbm>>) target_semaphore(%arg15 : memref<!tpu.dma_semaphore, #tpu.memory_space<semaphore_mem>>)
    %mul3A_131 = arith.constant 640 : i32
    %mul3A_132 = arith.muli %arg1, %mul3A_131 : i32
    %add3A_133 = arith.constant 384 : i32
    %add3A_134 = arith.addi %mul3A_132, %add3A_133 : i32
    %mul3A_135 = arith.constant 640 : i32
    %mul3A_136 = arith.muli %arg1, %mul3A_135 : i32
    %add3A_137 = arith.constant 128 : i32
    %add3A_138 = arith.addi %mul3A_136, %add3A_137 : i32
    %dma_wait3A_139 = arith.constant 0 : i32
    %dma_wait3A_140 = tpu.memref_slice %arg5[%arg0, %add3A_138, %dma_wait3A_139] : memref<2x10240x128xf32, #tpu.memory_space<hbm>> -> memref<1x128x128xf32, #tpu.memory_space<hbm>>
    %dma_wait3A_141 = tpu.memref_squeeze %dma_wait3A_140 : memref<1x128x128xf32, #tpu.memory_space<hbm>> -> memref<128x128xf32, #tpu.memory_space<hbm>>
    %dma_wait3A_142 = arith.constant 0 : i32
    %dma_wait3A_143 = tpu.memref_slice %arg5[%arg0, %add3A_138, %dma_wait3A_142] : memref<2x10240x128xf32, #tpu.memory_space<hbm>> -> memref<1x128x128xf32, #tpu.memory_space<hbm>>
    %dma_wait3A_144 = tpu.memref_squeeze %dma_wait3A_143 : memref<1x128x128xf32, #tpu.memory_space<hbm>> -> memref<128x128xf32, #tpu.memory_space<hbm>>
    tpu.wait_dma2 semaphore(%arg16 : memref<!tpu.dma_semaphore, #tpu.memory_space<semaphore_mem>>) src(%arg12 : memref<128x128xf32, #tpu.memory_space<vmem>>) dst(%dma_wait3A_144 : memref<128x128xf32, #tpu.memory_space<hbm>>)
    "tpu.region"() ({
      %run_scoped3A = tpu.sem_alloc : memref<!tpu.dma_semaphore, #tpu.memory_space<semaphore_mem>>
      %dma_start3A_191 = arith.constant 0 : i32
      %dma_start3A_192 = tpu.memref_slice %arg14[%add3A_134, %dma_start3A_191] : memref<10240x128xf32, #tpu.memory_space<vmem_shared>> -> memref<128x128xf32, #tpu.memory_space<vmem_shared>>
      %dma_start3A_193 = arith.constant 0 : i32
      %dma_start3A_194 = tpu.memref_slice %arg14[%add3A_134, %dma_start3A_193] : memref<10240x128xf32, #tpu.memory_space<vmem_shared>> -> memref<128x128xf32, #tpu.memory_space<vmem_shared>>
      tpu.enqueue_dma source(%dma_start3A_194 : memref<128x128xf32, #tpu.memory_space<vmem_shared>>) target(%arg12 : memref<128x128xf32, #tpu.memory_space<vmem>>) target_semaphore(%run_scoped3A : memref<!tpu.dma_semaphore, #tpu.memory_space<semaphore_mem>>)
      %dma_wait3A_195 = arith.constant 0 : i32
      %dma_wait3A_196 = tpu.memref_slice %arg14[%add3A_134, %dma_wait3A_195] : memref<10240x128xf32, #tpu.memory_space<vmem_shared>> -> memref<128x128xf32, #tpu.memory_space<vmem_shared>>
      %dma_wait3A_197 = arith.constant 0 : i32
      %dma_wait3A_198 = tpu.memref_slice %arg14[%add3A_134, %dma_wait3A_197] : memref<10240x128xf32, #tpu.memory_space<vmem_shared>> -> memref<128x128xf32, #tpu.memory_space<vmem_shared>>
      tpu.wait_dma2 semaphore(%run_scoped3A : memref<!tpu.dma_semaphore, #tpu.memory_space<semaphore_mem>>) src(%dma_wait3A_198 : memref<128x128xf32, #tpu.memory_space<vmem_shared>>) dst(%arg12 : memref<128x128xf32, #tpu.memory_space<vmem>>)
      tpu.yield
    }) : () -> ()
    %dma_start3A_145 = arith.constant 0 : i32
    %dma_start3A_146 = tpu.memref_slice %arg5[%arg0, %add3A_134, %dma_start3A_145] : memref<2x10240x128xf32, #tpu.memory_space<hbm>> -> memref<1x128x128xf32, #tpu.memory_space<hbm>>
    %dma_start3A_147 = tpu.memref_squeeze %dma_start3A_146 : memref<1x128x128xf32, #tpu.memory_space<hbm>> -> memref<128x128xf32, #tpu.memory_space<hbm>>
    %dma_start3A_148 = arith.constant 0 : i32
    %dma_start3A_149 = tpu.memref_slice %arg5[%arg0, %add3A_134, %dma_start3A_148] : memref<2x10240x128xf32, #tpu.memory_space<hbm>> -> memref<1x128x128xf32, #tpu.memory_space<hbm>>
    %dma_start3A_150 = tpu.memref_squeeze %dma_start3A_149 : memref<1x128x128xf32, #tpu.memory_space<hbm>> -> memref<128x128xf32, #tpu.memory_space<hbm>>
    tpu.enqueue_dma source(%arg12 : memref<128x128xf32, #tpu.memory_space<vmem>>) target(%dma_start3A_150 : memref<128x128xf32, #tpu.memory_space<hbm>>) target_semaphore(%arg16 : memref<!tpu.dma_semaphore, #tpu.memory_space<semaphore_mem>>)
    %mul3A_151 = arith.constant 640 : i32
    %mul3A_152 = arith.muli %arg1, %mul3A_151 : i32
    %add3A_153 = arith.constant 512 : i32
    %add3A_154 = arith.addi %mul3A_152, %add3A_153 : i32
    %mul3A_155 = arith.constant 640 : i32
    %mul3A_156 = arith.muli %arg1, %mul3A_155 : i32
    %add3A_157 = arith.constant 256 : i32
    %add3A_158 = arith.addi %mul3A_156, %add3A_157 : i32
    %dma_wait3A_159 = arith.constant 0 : i32
    %dma_wait3A_160 = tpu.memref_slice %arg5[%arg0, %add3A_158, %dma_wait3A_159] : memref<2x10240x128xf32, #tpu.memory_space<hbm>> -> memref<1x128x128xf32, #tpu.memory_space<hbm>>
    %dma_wait3A_161 = tpu.memref_squeeze %dma_wait3A_160 : memref<1x128x128xf32, #tpu.memory_space<hbm>> -> memref<128x128xf32, #tpu.memory_space<hbm>>
    %dma_wait3A_162 = arith.constant 0 : i32
    %dma_wait3A_163 = tpu.memref_slice %arg5[%arg0, %add3A_158, %dma_wait3A_162] : memref<2x10240x128xf32, #tpu.memory_space<hbm>> -> memref<1x128x128xf32, #tpu.memory_space<hbm>>
    %dma_wait3A_164 = tpu.memref_squeeze %dma_wait3A_163 : memref<1x128x128xf32, #tpu.memory_space<hbm>> -> memref<128x128xf32, #tpu.memory_space<hbm>>
    tpu.wait_dma2 semaphore(%arg15 : memref<!tpu.dma_semaphore, #tpu.memory_space<semaphore_mem>>) src(%arg11 : memref<128x128xf32, #tpu.memory_space<vmem>>) dst(%dma_wait3A_164 : memref<128x128xf32, #tpu.memory_space<hbm>>)
    "tpu.region"() ({
      %run_scoped3A = tpu.sem_alloc : memref<!tpu.dma_semaphore, #tpu.memory_space<semaphore_mem>>
      %dma_start3A_191 = arith.constant 0 : i32
      %dma_start3A_192 = tpu.memref_slice %arg14[%add3A_154, %dma_start3A_191] : memref<10240x128xf32, #tpu.memory_space<vmem_shared>> -> memref<128x128xf32, #tpu.memory_space<vmem_shared>>
      %dma_start3A_193 = arith.constant 0 : i32
      %dma_start3A_194 = tpu.memref_slice %arg14[%add3A_154, %dma_start3A_193] : memref<10240x128xf32, #tpu.memory_space<vmem_shared>> -> memref<128x128xf32, #tpu.memory_space<vmem_shared>>
      tpu.enqueue_dma source(%dma_start3A_194 : memref<128x128xf32, #tpu.memory_space<vmem_shared>>) target(%arg11 : memref<128x128xf32, #tpu.memory_space<vmem>>) target_semaphore(%run_scoped3A : memref<!tpu.dma_semaphore, #tpu.memory_space<semaphore_mem>>)
      %dma_wait3A_195 = arith.constant 0 : i32
      %dma_wait3A_196 = tpu.memref_slice %arg14[%add3A_154, %dma_wait3A_195] : memref<10240x128xf32, #tpu.memory_space<vmem_shared>> -> memref<128x128xf32, #tpu.memory_space<vmem_shared>>
      %dma_wait3A_197 = arith.constant 0 : i32
      %dma_wait3A_198 = tpu.memref_slice %arg14[%add3A_154, %dma_wait3A_197] : memref<10240x128xf32, #tpu.memory_space<vmem_shared>> -> memref<128x128xf32, #tpu.memory_space<vmem_shared>>
      tpu.wait_dma2 semaphore(%run_scoped3A : memref<!tpu.dma_semaphore, #tpu.memory_space<semaphore_mem>>) src(%dma_wait3A_198 : memref<128x128xf32, #tpu.memory_space<vmem_shared>>) dst(%arg11 : memref<128x128xf32, #tpu.memory_space<vmem>>)
      tpu.yield
    }) : () -> ()
    %dma_start3A_165 = arith.constant 0 : i32
    %dma_start3A_166 = tpu.memref_slice %arg5[%arg0, %add3A_154, %dma_start3A_165] : memref<2x10240x128xf32, #tpu.memory_space<hbm>> -> memref<1x128x128xf32, #tpu.memory_space<hbm>>
    %dma_start3A_167 = tpu.memref_squeeze %dma_start3A_166 : memref<1x128x128xf32, #tpu.memory_space<hbm>> -> memref<128x128xf32, #tpu.memory_space<hbm>>
    %dma_start3A_168 = arith.constant 0 : i32
    %dma_start3A_169 = tpu.memref_slice %arg5[%arg0, %add3A_154, %dma_start3A_168] : memref<2x10240x128xf32, #tpu.memory_space<hbm>> -> memref<1x128x128xf32, #tpu.memory_space<hbm>>
    %dma_start3A_170 = tpu.memref_squeeze %dma_start3A_169 : memref<1x128x128xf32, #tpu.memory_space<hbm>> -> memref<128x128xf32, #tpu.memory_space<hbm>>
    tpu.enqueue_dma source(%arg11 : memref<128x128xf32, #tpu.memory_space<vmem>>) target(%dma_start3A_170 : memref<128x128xf32, #tpu.memory_space<hbm>>) target_semaphore(%arg15 : memref<!tpu.dma_semaphore, #tpu.memory_space<semaphore_mem>>)
    "tpu.region"() ({
      %run_scoped3A = tpu.sem_alloc : memref<!tpu.dma_semaphore, #tpu.memory_space<semaphore_mem>>
      %dma_start3A_191 = arith.constant 0 : i32
      %dma_start3A_192 = tpu.memref_slice %arg6[%arg0, %arg1, %dma_start3A_191] : memref<2x16x10240xf32, #tpu.memory_space<hbm>> -> memref<1x1x10240xf32, #tpu.memory_space<hbm>>
      %dma_start3A_193 = tpu.memref_squeeze %dma_start3A_192 : memref<1x1x10240xf32, #tpu.memory_space<hbm>> -> memref<10240xf32, #tpu.memory_space<hbm>>
      %dma_start3A_194 = arith.constant 0 : i32
      %dma_start3A_195 = tpu.memref_slice %arg6[%arg0, %arg1, %dma_start3A_194] : memref<2x16x10240xf32, #tpu.memory_space<hbm>> -> memref<1x1x10240xf32, #tpu.memory_space<hbm>>
      %dma_start3A_196 = tpu.memref_squeeze %dma_start3A_195 : memref<1x1x10240xf32, #tpu.memory_space<hbm>> -> memref<10240xf32, #tpu.memory_space<hbm>>
      tpu.enqueue_dma source(%arg13 : memref<10240xf32, #tpu.memory_space<vmem>>) target(%dma_start3A_196 : memref<10240xf32, #tpu.memory_space<hbm>>) target_semaphore(%run_scoped3A : memref<!tpu.dma_semaphore, #tpu.memory_space<semaphore_mem>>)
      %dma_wait3A_197 = arith.constant 0 : i32
      %dma_wait3A_198 = tpu.memref_slice %arg6[%arg0, %arg1, %dma_wait3A_197] : memref<2x16x10240xf32, #tpu.memory_space<hbm>> -> memref<1x1x10240xf32, #tpu.memory_space<hbm>>
      %dma_wait3A_199 = tpu.memref_squeeze %dma_wait3A_198 : memref<1x1x10240xf32, #tpu.memory_space<hbm>> -> memref<10240xf32, #tpu.memory_space<hbm>>
      %dma_wait3A_200 = arith.constant 0 : i32
      %dma_wait3A_201 = tpu.memref_slice %arg6[%arg0, %arg1, %dma_wait3A_200] : memref<2x16x10240xf32, #tpu.memory_space<hbm>> -> memref<1x1x10240xf32, #tpu.memory_space<hbm>>
      %dma_wait3A_202 = tpu.memref_squeeze %dma_wait3A_201 : memref<1x1x10240xf32, #tpu.memory_space<hbm>> -> memref<10240xf32, #tpu.memory_space<hbm>>
      tpu.wait_dma2 semaphore(%run_scoped3A : memref<!tpu.dma_semaphore, #tpu.memory_space<semaphore_mem>>) src(%arg13 : memref<10240xf32, #tpu.memory_space<vmem>>) dst(%dma_wait3A_202 : memref<10240xf32, #tpu.memory_space<hbm>>)
      tpu.yield
    }) : () -> ()
    %mul3A_171 = arith.constant 640 : i32
    %mul3A_172 = arith.muli %arg1, %mul3A_171 : i32
    %add3A_173 = arith.constant 384 : i32
    %add3A_174 = arith.addi %mul3A_172, %add3A_173 : i32
    %dma_wait3A_175 = arith.constant 0 : i32
    %dma_wait3A_176 = tpu.memref_slice %arg5[%arg0, %add3A_174, %dma_wait3A_175] : memref<2x10240x128xf32, #tpu.memory_space<hbm>> -> memref<1x128x128xf32, #tpu.memory_space<hbm>>
    %dma_wait3A_177 = tpu.memref_squeeze %dma_wait3A_176 : memref<1x128x128xf32, #tpu.memory_space<hbm>> -> memref<128x128xf32, #tpu.memory_space<hbm>>
    %dma_wait3A_178 = arith.constant 0 : i32
    %dma_wait3A_179 = tpu.memref_slice %arg5[%arg0, %add3A_174, %dma_wait3A_178] : memref<2x10240x128xf32, #tpu.memory_space<hbm>> -> memref<1x128x128xf32, #tpu.memory_space<hbm>>
    %dma_wait3A_180 = tpu.memref_squeeze %dma_wait3A_179 : memref<1x128x128xf32, #tpu.memory_space<hbm>> -> memref<128x128xf32, #tpu.memory_space<hbm>>
    tpu.wait_dma2 semaphore(%arg16 : memref<!tpu.dma_semaphore, #tpu.memory_space<semaphore_mem>>) src(%arg12 : memref<128x128xf32, #tpu.memory_space<vmem>>) dst(%dma_wait3A_180 : memref<128x128xf32, #tpu.memory_space<hbm>>)
    %mul3A_181 = arith.constant 640 : i32
    %mul3A_182 = arith.muli %arg1, %mul3A_181 : i32
    %add3A_183 = arith.constant 512 : i32
    %add3A_184 = arith.addi %mul3A_182, %add3A_183 : i32
    %dma_wait3A_185 = arith.constant 0 : i32
    %dma_wait3A_186 = tpu.memref_slice %arg5[%arg0, %add3A_184, %dma_wait3A_185] : memref<2x10240x128xf32, #tpu.memory_space<hbm>> -> memref<1x128x128xf32, #tpu.memory_space<hbm>>
    %dma_wait3A_187 = tpu.memref_squeeze %dma_wait3A_186 : memref<1x128x128xf32, #tpu.memory_space<hbm>> -> memref<128x128xf32, #tpu.memory_space<hbm>>
    %dma_wait3A_188 = arith.constant 0 : i32
    %dma_wait3A_189 = tpu.memref_slice %arg5[%arg0, %add3A_184, %dma_wait3A_188] : memref<2x10240x128xf32, #tpu.memory_space<hbm>> -> memref<1x128x128xf32, #tpu.memory_space<hbm>>
    %dma_wait3A_190 = tpu.memref_squeeze %dma_wait3A_189 : memref<1x128x128xf32, #tpu.memory_space<hbm>> -> memref<128x128xf32, #tpu.memory_space<hbm>>
    tpu.wait_dma2 semaphore(%arg15 : memref<!tpu.dma_semaphore, #tpu.memory_space<semaphore_mem>>) src(%arg11 : memref<128x128xf32, #tpu.memory_space<vmem>>) dst(%dma_wait3A_190 : memref<128x128xf32, #tpu.memory_space<hbm>>)
    return
  }
}

module attributes {stable_mosaic.version = 14 : i64} {
  func.func @body(%arg0: memref<10000x128xf32, #tpu.memory_space<vmem>>, %arg1: memref<128x128xf32, #tpu.memory_space<vmem>>, %arg2: memref<128xf32, #tpu.memory_space<vmem>>, %arg3: memref<10000x128xf32, #tpu.memory_space<vmem>>) attributes {dimension_semantics = [], scalar_prefetch = 0 : i64, scratch_operands = 0 : i64, tpu.core_type = #tpu.core_type<tc>} {
    %get3A = arith.constant 0 : index
    %get3A_0 = arith.constant 0 : index
    %get3A_1 = vector.load %arg0[%get3A, %get3A_0] : memref<10000x128xf32, #tpu.memory_space<vmem>>, vector<10000x128xf32>
    %get3A_2 = arith.constant 0 : index
    %get3A_3 = arith.constant 0 : index
    %get3A_4 = vector.load %arg1[%get3A_2, %get3A_3] : memref<128x128xf32, #tpu.memory_space<vmem>>, vector<128x128xf32>
    %dot_general3A = arith.constant dense<0.000000e+00> : vector<10000x128xf32>
    %dot_general3A_5 = tpu.matmul %get3A_1, %get3A_4, %dot_general3A {dimension_numbers = #tpu.dot_dimension_numbers<[1], [0], [0], [1], [0, 0, 1, 1], [], []>, transpose_lhs_hint = false} : vector<10000x128xf32>, vector<128x128xf32>, vector<10000x128xf32> -> vector<10000x128xf32>
    %get3A_6 = arith.constant 0 : index
    %get3A_7 = vector.load %arg2[%get3A_6] : memref<128xf32, #tpu.memory_space<vmem>>, vector<128xf32>
    %broadcast_in_dim3A = vector.shape_cast %get3A_7 : vector<128xf32> to vector<1x128xf32>
    %add3A = vector.broadcast %broadcast_in_dim3A : vector<1x128xf32> to vector<10000x128xf32>
    %add3A_8 = arith.addf %dot_general3A_5, %add3A : vector<10000x128xf32>
    %swap3A = arith.constant 0 : index
    %swap3A_9 = arith.constant 0 : index
    %swap3A_10 = vector.load %arg3[%swap3A, %swap3A_9] : memref<10000x128xf32, #tpu.memory_space<vmem>>, vector<10000x128xf32>
    tpu.vector_store %arg3[%swap3A, %swap3A_9], %add3A_8 {strides = array<i32>} : memref<10000x128xf32, #tpu.memory_space<vmem>>, vector<10000x128xf32>,
    return
  }
}

module attributes {stable_mosaic.version = 14 : i64} {
  func.func @body(%arg0: memref<2x10240x128xf32, #tpu.memory_space<vmem>>, %arg1: memref<10000x128xf32, #tpu.memory_space<vmem>>, %arg2: memref<2x16x10240xf32, #tpu.memory_space<vmem>>, %arg3: memref<128x128xf32, #tpu.memory_space<vmem>>, %arg4: memref<128xf32, #tpu.memory_space<vmem>>, %arg5: memref<128xf32, #tpu.memory_space<vmem>>, %arg6: memref<128xf32, #tpu.memory_space<vmem>>, %arg7: memref<10000x128xf32, #tpu.memory_space<vmem>>) attributes {dimension_semantics = [], scalar_prefetch = 0 : i64, scratch_operands = 0 : i64, tpu.core_type = #tpu.core_type<tc>} {
    %get3A = arith.constant 0 : index
    %get3A_0 = vector.load %arg5[%get3A] : memref<128xf32, #tpu.memory_space<vmem>>, vector<128xf32>
    %get3A_1 = arith.constant 0 : index
    %get3A_2 = vector.load %arg6[%get3A_1] : memref<128xf32, #tpu.memory_space<vmem>>, vector<128xf32>
    %get3A_3 = arith.constant 0 : index
    %get3A_4 = arith.constant 0 : index
    %get3A_5 = arith.constant 0 : index
    %get3A_6 = vector.load %arg2[%get3A_3, %get3A_4, %get3A_5] : memref<2x16x10240xf32, #tpu.memory_space<vmem>>, vector<2x16x10240xf32>
    %reduce_sum3A = arith.constant dense<0.000000e+00> : vector<10240xf32>
    %reduce_sum3A_7 = vector.multi_reduction <add>, %get3A_6, %reduce_sum3A [0, 1] : vector<2x16x10240xf32> to vector<10240xf32>
    %slice3A = vector.extract_strided_slice %reduce_sum3A_7 {offsets = [0], sizes = [10000], strides = [1]} : vector<10240xf32> to vector<10000xf32>
    %add3A = arith.constant 1.000000e+00 : f32
    %add3A_8 = vector.broadcast %add3A : f32 to vector<10000xf32>
    %add3A_9 = arith.addf %slice3A, %add3A_8 : vector<10000xf32>
    %get3A_10 = arith.constant 0 : index
    %get3A_11 = arith.constant 0 : index
    %get3A_12 = arith.constant 0 : index
    %get3A_13 = vector.load %arg0[%get3A_10, %get3A_11, %get3A_12] : memref<2x10240x128xf32, #tpu.memory_space<vmem>>, vector<1x10000x128xf32>
    %get3A_14 = vector.shape_cast %get3A_13 : vector<1x10000x128xf32> to vector<10000x128xf32>
    %get3A_15 = arith.constant 1 : index
    %get3A_16 = arith.constant 0 : index
    %get3A_17 = arith.constant 0 : index
    %get3A_18 = vector.load %arg0[%get3A_15, %get3A_16, %get3A_17] : memref<2x10240x128xf32, #tpu.memory_space<vmem>>, vector<1x10000x128xf32>
    %get3A_19 = vector.shape_cast %get3A_18 : vector<1x10000x128xf32> to vector<10000x128xf32>
    %add3A_20 = arith.addf %get3A_14, %get3A_19 : vector<10000x128xf32>
    %get3A_21 = arith.constant 0 : index
    %get3A_22 = arith.constant 0 : index
    %get3A_23 = vector.load %arg1[%get3A_21, %get3A_22] : memref<10000x128xf32, #tpu.memory_space<vmem>>, vector<10000x128xf32>
    %add3A_24 = arith.addf %add3A_20, %get3A_23 : vector<10000x128xf32>
    %broadcast_in_dim3A = vector.shape_cast %add3A_9 : vector<10000xf32> to vector<10000x1xf32>
    %div3A = vector.broadcast %broadcast_in_dim3A : vector<10000x1xf32> to vector<10000x128xf32>
    %div3A_25 = arith.divf %add3A_24, %div3A : vector<10000x128xf32>
    %reduce_sum3A_26 = arith.constant dense<0.000000e+00> : vector<128xf32>
    %reduce_sum3A_27 = vector.multi_reduction <add>, %div3A_25, %reduce_sum3A_26 [0] : vector<10000x128xf32> to vector<128xf32>
    %div3A_28 = arith.constant 1.000000e+04 : f32
    %div3A_29 = vector.broadcast %div3A_28 : f32 to vector<128xf32>
    %div3A_30 = arith.divf %reduce_sum3A_27, %div3A_29 : vector<128xf32>
    %broadcast_in_dim3A_31 = vector.shape_cast %div3A_30 : vector<128xf32> to vector<1x128xf32>
    %sub3A = vector.broadcast %broadcast_in_dim3A_31 : vector<1x128xf32> to vector<10000x128xf32>
    %sub3A_32 = arith.subf %div3A_25, %sub3A : vector<10000x128xf32>
    %integer_pow3A = arith.mulf %sub3A_32, %sub3A_32 : vector<10000x128xf32>
    %reduce_sum3A_33 = arith.constant dense<0.000000e+00> : vector<128xf32>
    %reduce_sum3A_34 = vector.multi_reduction <add>, %integer_pow3A, %reduce_sum3A_33 [0] : vector<10000x128xf32> to vector<128xf32>
    %div3A_35 = arith.constant 1.000000e+04 : f32
    %div3A_36 = vector.broadcast %div3A_35 : f32 to vector<128xf32>
    %div3A_37 = arith.divf %reduce_sum3A_34, %div3A_36 : vector<128xf32>
    %broadcast_in_dim3A_38 = vector.shape_cast %div3A_30 : vector<128xf32> to vector<1x128xf32>
    %sub3A_39 = vector.broadcast %broadcast_in_dim3A_38 : vector<1x128xf32> to vector<10000x128xf32>
    %sub3A_40 = arith.subf %div3A_25, %sub3A_39 : vector<10000x128xf32>
    %add3A_41 = arith.constant 9.99999974E-6 : f32
    %add3A_42 = vector.broadcast %add3A_41 : f32 to vector<128xf32>
    %add3A_43 = arith.addf %div3A_37, %add3A_42 : vector<128xf32>
    %rsqrt3A = math.rsqrt %add3A_43 : vector<128xf32>
    %broadcast_in_dim3A_44 = vector.shape_cast %rsqrt3A : vector<128xf32> to vector<1x128xf32>
    %mul3A = vector.broadcast %broadcast_in_dim3A_44 : vector<1x128xf32> to vector<10000x128xf32>
    %mul3A_45 = arith.mulf %sub3A_40, %mul3A : vector<10000x128xf32>
    %broadcast_in_dim3A_46 = vector.shape_cast %get3A_0 : vector<128xf32> to vector<1x128xf32>
    %mul3A_47 = vector.broadcast %broadcast_in_dim3A_46 : vector<1x128xf32> to vector<10000x128xf32>
    %mul3A_48 = arith.mulf %mul3A_45, %mul3A_47 : vector<10000x128xf32>
    %broadcast_in_dim3A_49 = vector.shape_cast %get3A_2 : vector<128xf32> to vector<1x128xf32>
    %add3A_50 = vector.broadcast %broadcast_in_dim3A_49 : vector<1x128xf32> to vector<10000x128xf32>
    %add3A_51 = arith.addf %mul3A_48, %add3A_50 : vector<10000x128xf32>
    %max3A = arith.constant 0.000000e+00 : f32
    %max3A_52 = vector.broadcast %max3A : f32 to vector<10000x128xf32>
    %max3A_53 = arith.maximumf %add3A_51, %max3A_52 : vector<10000x128xf32>
    %get3A_54 = arith.constant 0 : index
    %get3A_55 = arith.constant 0 : index
    %get3A_56 = vector.load %arg3[%get3A_54, %get3A_55] : memref<128x128xf32, #tpu.memory_space<vmem>>, vector<128x128xf32>
    %dot_general3A = arith.constant dense<0.000000e+00> : vector<10000x128xf32>
    %dot_general3A_57 = tpu.matmul %max3A_53, %get3A_56, %dot_general3A {dimension_numbers = #tpu.dot_dimension_numbers<[1], [0], [0], [1], [0, 0, 1, 1], [], []>, transpose_lhs_hint = false} : vector<10000x128xf32>, vector<128x128xf32>, vector<10000x128xf32> -> vector<10000x128xf32>
    %get3A_58 = arith.constant 0 : index
    %get3A_59 = vector.load %arg4[%get3A_58] : memref<128xf32, #tpu.memory_space<vmem>>, vector<128xf32>
    %broadcast_in_dim3A_60 = vector.shape_cast %get3A_59 : vector<128xf32> to vector<1x128xf32>
    %add3A_61 = vector.broadcast %broadcast_in_dim3A_60 : vector<1x128xf32> to vector<10000x128xf32>
    %add3A_62 = arith.addf %dot_general3A_57, %add3A_61 : vector<10000x128xf32>
    %swap3A = arith.constant 0 : index
    %swap3A_63 = arith.constant 0 : index
    %swap3A_64 = vector.load %arg7[%swap3A, %swap3A_63] : memref<10000x128xf32, #tpu.memory_space<vmem>>, vector<10000x128xf32>
    tpu.vector_store %arg7[%swap3A, %swap3A_63], %add3A_62 {strides = array<i32>} : memref<10000x128xf32, #tpu.memory_space<vmem>>, vector<10000x128xf32>,
    return
  }
}

module attributes {stable_mosaic.version = 14 : i64} {
  func.func @body(%arg0: memref<2x10240x128xf32, #tpu.memory_space<vmem>>, %arg1: memref<10000x128xf32, #tpu.memory_space<vmem>>, %arg2: memref<2x16x10240xf32, #tpu.memory_space<vmem>>, %arg3: memref<128xf32, #tpu.memory_space<vmem>>, %arg4: memref<128xf32, #tpu.memory_space<vmem>>, %arg5: memref<128x64xf32, #tpu.memory_space<vmem>>, %arg6: memref<64xf32, #tpu.memory_space<vmem>>, %arg7: memref<64x2xf32, #tpu.memory_space<vmem>>, %arg8: memref<2xf32, #tpu.memory_space<vmem>>, %arg9: memref<10000x2xf32, #tpu.memory_space<vmem>>) attributes {dimension_semantics = [], scalar_prefetch = 0 : i64, scratch_operands = 0 : i64, tpu.core_type = #tpu.core_type<tc>} {
    %get3A = arith.constant 0 : index
    %get3A_0 = vector.load %arg3[%get3A] : memref<128xf32, #tpu.memory_space<vmem>>, vector<128xf32>
    %get3A_1 = arith.constant 0 : index
    %get3A_2 = vector.load %arg4[%get3A_1] : memref<128xf32, #tpu.memory_space<vmem>>, vector<128xf32>
    %get3A_3 = arith.constant 0 : index
    %get3A_4 = arith.constant 0 : index
    %get3A_5 = arith.constant 0 : index
    %get3A_6 = vector.load %arg2[%get3A_3, %get3A_4, %get3A_5] : memref<2x16x10240xf32, #tpu.memory_space<vmem>>, vector<2x16x10240xf32>
    %reduce_sum3A = arith.constant dense<0.000000e+00> : vector<10240xf32>
    %reduce_sum3A_7 = vector.multi_reduction <add>, %get3A_6, %reduce_sum3A [0, 1] : vector<2x16x10240xf32> to vector<10240xf32>
    %slice3A = vector.extract_strided_slice %reduce_sum3A_7 {offsets = [0], sizes = [10000], strides = [1]} : vector<10240xf32> to vector<10000xf32>
    %add3A = arith.constant 1.000000e+00 : f32
    %add3A_8 = vector.broadcast %add3A : f32 to vector<10000xf32>
    %add3A_9 = arith.addf %slice3A, %add3A_8 : vector<10000xf32>
    %get3A_10 = arith.constant 0 : index
    %get3A_11 = arith.constant 0 : index
    %get3A_12 = arith.constant 0 : index
    %get3A_13 = vector.load %arg0[%get3A_10, %get3A_11, %get3A_12] : memref<2x10240x128xf32, #tpu.memory_space<vmem>>, vector<1x10000x128xf32>
    %get3A_14 = vector.shape_cast %get3A_13 : vector<1x10000x128xf32> to vector<10000x128xf32>
    %get3A_15 = arith.constant 1 : index
    %get3A_16 = arith.constant 0 : index
    %get3A_17 = arith.constant 0 : index
    %get3A_18 = vector.load %arg0[%get3A_15, %get3A_16, %get3A_17] : memref<2x10240x128xf32, #tpu.memory_space<vmem>>, vector<1x10000x128xf32>
    %get3A_19 = vector.shape_cast %get3A_18 : vector<1x10000x128xf32> to vector<10000x128xf32>
    %add3A_20 = arith.addf %get3A_14, %get3A_19 : vector<10000x128xf32>
    %get3A_21 = arith.constant 0 : index
    %get3A_22 = arith.constant 0 : index
    %get3A_23 = vector.load %arg1[%get3A_21, %get3A_22] : memref<10000x128xf32, #tpu.memory_space<vmem>>, vector<10000x128xf32>
    %add3A_24 = arith.addf %add3A_20, %get3A_23 : vector<10000x128xf32>
    %broadcast_in_dim3A = vector.shape_cast %add3A_9 : vector<10000xf32> to vector<10000x1xf32>
    %div3A = vector.broadcast %broadcast_in_dim3A : vector<10000x1xf32> to vector<10000x128xf32>
    %div3A_25 = arith.divf %add3A_24, %div3A : vector<10000x128xf32>
    %reduce_sum3A_26 = arith.constant dense<0.000000e+00> : vector<128xf32>
    %reduce_sum3A_27 = vector.multi_reduction <add>, %div3A_25, %reduce_sum3A_26 [0] : vector<10000x128xf32> to vector<128xf32>
    %div3A_28 = arith.constant 1.000000e+04 : f32
    %div3A_29 = vector.broadcast %div3A_28 : f32 to vector<128xf32>
    %div3A_30 = arith.divf %reduce_sum3A_27, %div3A_29 : vector<128xf32>
    %broadcast_in_dim3A_31 = vector.shape_cast %div3A_30 : vector<128xf32> to vector<1x128xf32>
    %sub3A = vector.broadcast %broadcast_in_dim3A_31 : vector<1x128xf32> to vector<10000x128xf32>
    %sub3A_32 = arith.subf %div3A_25, %sub3A : vector<10000x128xf32>
    %integer_pow3A = arith.mulf %sub3A_32, %sub3A_32 : vector<10000x128xf32>
    %reduce_sum3A_33 = arith.constant dense<0.000000e+00> : vector<128xf32>
    %reduce_sum3A_34 = vector.multi_reduction <add>, %integer_pow3A, %reduce_sum3A_33 [0] : vector<10000x128xf32> to vector<128xf32>
    %div3A_35 = arith.constant 1.000000e+04 : f32
    %div3A_36 = vector.broadcast %div3A_35 : f32 to vector<128xf32>
    %div3A_37 = arith.divf %reduce_sum3A_34, %div3A_36 : vector<128xf32>
    %broadcast_in_dim3A_38 = vector.shape_cast %div3A_30 : vector<128xf32> to vector<1x128xf32>
    %sub3A_39 = vector.broadcast %broadcast_in_dim3A_38 : vector<1x128xf32> to vector<10000x128xf32>
    %sub3A_40 = arith.subf %div3A_25, %sub3A_39 : vector<10000x128xf32>
    %add3A_41 = arith.constant 9.99999974E-6 : f32
    %add3A_42 = vector.broadcast %add3A_41 : f32 to vector<128xf32>
    %add3A_43 = arith.addf %div3A_37, %add3A_42 : vector<128xf32>
    %rsqrt3A = math.rsqrt %add3A_43 : vector<128xf32>
    %broadcast_in_dim3A_44 = vector.shape_cast %rsqrt3A : vector<128xf32> to vector<1x128xf32>
    %mul3A = vector.broadcast %broadcast_in_dim3A_44 : vector<1x128xf32> to vector<10000x128xf32>
    %mul3A_45 = arith.mulf %sub3A_40, %mul3A : vector<10000x128xf32>
    %broadcast_in_dim3A_46 = vector.shape_cast %get3A_0 : vector<128xf32> to vector<1x128xf32>
    %mul3A_47 = vector.broadcast %broadcast_in_dim3A_46 : vector<1x128xf32> to vector<10000x128xf32>
    %mul3A_48 = arith.mulf %mul3A_45, %mul3A_47 : vector<10000x128xf32>
    %broadcast_in_dim3A_49 = vector.shape_cast %get3A_2 : vector<128xf32> to vector<1x128xf32>
    %add3A_50 = vector.broadcast %broadcast_in_dim3A_49 : vector<1x128xf32> to vector<10000x128xf32>
    %add3A_51 = arith.addf %mul3A_48, %add3A_50 : vector<10000x128xf32>
    %max3A = arith.constant 0.000000e+00 : f32
    %max3A_52 = vector.broadcast %max3A : f32 to vector<10000x128xf32>
    %max3A_53 = arith.maximumf %add3A_51, %max3A_52 : vector<10000x128xf32>
    %get3A_54 = arith.constant 0 : index
    %get3A_55 = arith.constant 0 : index
    %get3A_56 = vector.load %arg5[%get3A_54, %get3A_55] : memref<128x64xf32, #tpu.memory_space<vmem>>, vector<128x64xf32>
    %dot_general3A = arith.constant dense<0.000000e+00> : vector<10000x64xf32>
    %dot_general3A_57 = tpu.matmul %max3A_53, %get3A_56, %dot_general3A {dimension_numbers = #tpu.dot_dimension_numbers<[1], [0], [0], [1], [0, 0, 1, 1], [], []>, transpose_lhs_hint = false} : vector<10000x128xf32>, vector<128x64xf32>, vector<10000x64xf32> -> vector<10000x64xf32>
    %get3A_58 = arith.constant 0 : index
    %get3A_59 = vector.load %arg6[%get3A_58] : memref<64xf32, #tpu.memory_space<vmem>>, vector<64xf32>
    %broadcast_in_dim3A_60 = vector.shape_cast %get3A_59 : vector<64xf32> to vector<1x64xf32>
    %add3A_61 = vector.broadcast %broadcast_in_dim3A_60 : vector<1x64xf32> to vector<10000x64xf32>
    %add3A_62 = arith.addf %dot_general3A_57, %add3A_61 : vector<10000x64xf32>
    %max3A_63 = arith.constant 0.000000e+00 : f32
    %max3A_64 = vector.broadcast %max3A_63 : f32 to vector<10000x64xf32>
    %max3A_65 = arith.maximumf %add3A_62, %max3A_64 : vector<10000x64xf32>
    %get3A_66 = arith.constant 0 : index
    %get3A_67 = arith.constant 0 : index
    %get3A_68 = vector.load %arg7[%get3A_66, %get3A_67] : memref<64x2xf32, #tpu.memory_space<vmem>>, vector<64x2xf32>
    %dot_general3A_69 = arith.constant dense<0.000000e+00> : vector<10000x2xf32>
    %dot_general3A_70 = tpu.matmul %max3A_65, %get3A_68, %dot_general3A_69 {dimension_numbers = #tpu.dot_dimension_numbers<[1], [0], [0], [1], [0, 0, 1, 1], [], []>, transpose_lhs_hint = false} : vector<10000x64xf32>, vector<64x2xf32>, vector<10000x2xf32> -> vector<10000x2xf32>
    %get3A_71 = arith.constant 0 : index
    %get3A_72 = vector.load %arg8[%get3A_71] : memref<2xf32, #tpu.memory_space<vmem>>, vector<2xf32>
    %broadcast_in_dim3A_73 = vector.shape_cast %get3A_72 : vector<2xf32> to vector<1x2xf32>
    %add3A_74 = vector.broadcast %broadcast_in_dim3A_73 : vector<1x2xf32> to vector<10000x2xf32>
    %add3A_75 = arith.addf %dot_general3A_70, %add3A_74 : vector<10000x2xf32>
    %swap3A = arith.constant 0 : index
    %swap3A_76 = arith.constant 0 : index
    %swap3A_77 = vector.load %arg9[%swap3A, %swap3A_76] : memref<10000x2xf32, #tpu.memory_space<vmem>>, vector<10000x2xf32>
    tpu.vector_store %arg9[%swap3A, %swap3A_76], %add3A_75 {strides = array<i32>} : memref<10000x2xf32, #tpu.memory_space<vmem>>, vector<10000x2xf32>,
    return
  }
}

</mosaic_0001>

<sc_bundles>
// kernel: kernel.10.cloned.1.call-start
scs
__scs_entry_jumppad:
0x0: {  	(pc) =	sbr.rel $0x88, $3  }
0x1: {  	(tag) =	ssettag $0x0;
	lr =	simm.s32 $0x1  }
0x2: {  	[smem:$0x3F93] =	sst lr;
	_ =	strace $0xD0000000  }
0x3: {  	_ = 	snop  }
0x4: {  	_ = 	snop  }
0x5: {  	_ = 	snop  }
0x6: {  	_ = 	snop  }
0x7: {  	_ = 	snop  }
__scs_overlays_trampoline_lowered:
0x8: {  	[smem:$0x3FA2] =	sst s0  }
0x9: {  	[smem:$0x3FA3] =	sst s1  }
0xa: {  	[smem:$0x3FA4] =	sst s2  }
0xb: {  	[smem:$0x3FA5] =	sst s3  }
0xc: {  	[smem:$0x3FA6] =	sst s4  }
0xd: {  	[smem:$0x3FA7] =	sst s5  }
0xe: {  	[smem:$0x3FA8] =	sst s6  }
0xf: {  	[smem:$0x3FA9] =	sst s7  }
0x10: {  	[smem:$0x3FAA] =	sst s8  }
0x11: {  	[smem:$0x3FAB] =	sst s9;
	s0 =	simm.s32 @!p0 $0x0  }
0x12: {  	s1 =	sld [smem:$0x3F91];
	s0 =	simm.s32 @p0 $0x1  }
0x13: {  	[smem:$0x3FAC] =	sst s0;
	s0 =	simm.s32 @!p1 $0x0  }
0x14: {  	s2 =	sld [smem:$0x3F90];
	s0 =	simm.s32 @p1 $0x1  }
0x15: {  	[smem:$0x3FAD] =	sst s0;
	s0 =	simm.s32 @!p2 $0x0  }
0x16: {  	s3 =	sld [smem:$0x3FDB];
	s0 =	simm.s32 @p2 $0x1  }
0x17: {  	s4 =	simm.s32 $0x1BF5;
	[smem:$0x3FAF] =	sst s0  }
0x18: {  	s0 =	sld [smem:$0x3F92];
	_ =	swait.ge [sflag:s4], $0x0  }
0x19: {  	s7 =	sld [smem:$0x3F93]  }
0x1a: {  	s8 =	sadd.s32 $0xFFFFE003, lr  }
0x1b: {  	s9 =	sadd.s32 $0xFFFFFEF7, lr;
	s5 =	simm.s32 $0xFFFFFFFF;
	p2 =	slt.u32 s8, $0xFFFFF086  }
0x1c: {  	p1 =	slt.u32 s9, $0xF7A;
	s5 =	simm.s32 @!p2 $0x0  }
0x1d: {  	s5 =	simm.s32 @p1 $0x1;
	p0 =	seq.s32 s7, s2  }
0x1e: {  	s7 =	smul.u32 @!p0 $0xF7A, s2;
	p2 =	seq.s32 @!p0 s5, $0x0  }
0x1f: {  	s9 =	smul.u32 $0xF7A, s1;
	s8 =	simm.s32 @!p0 $0x1BF5;
	p2 =	por !p2, p0  }
0x20: {  	[sflag:s8] =	ssyncset.s32 @!p0 $0xFFFFF086;
	s6 =	sadd.s32 @!p0 s3, s7;
	s7 =	simm.s32 @!p0 $0x108  }
0x21: {  	s3 =	sadd.s32 s3, s9;
	s6 =	sadd.s32 @!p0 $0x88, s6;
	s7 =	simm.s32 @p2 $0x1082  }
0x22: {  	[simem:s7], [sflag:s8] =	dma.local @!p0 [hbm:s6], $0xF7A  }
0x23: {  	s9 =	sor.u32 $0xD0000000, s2;
	s6 =	simm.s32 $0x108;
	_ =	swait.ge @!p0 [sflag:s8], $0x0  }
0x24: {  	s3 =	sadd.s32 $0x88, s3;
	s6 =	simm.s32 @!p1 $0x1082;
	[sflag:s4] =	ssyncset.s32 $0xFFFFF086  }
0x25: {  	[simem:s6], [sflag:s4] =	dma.local [hbm:s3], $0xF7A  }
0x26: {  	[smem:$0x3F93] =	sst s1;
	(tag) =	ssettag s2;
	_ =	strace s9  }
0x27: {  	s1 =	sld [smem:$0x3FA3]  }
0x28: {  	s2 =	sld [smem:$0x3FA4]  }
0x29: {  	s4 =	sld [smem:$0x3FA6]  }
0x2a: {  	p0 =	seq.s32 s5, $0x0;
	s5 =	sld [smem:$0x3FA7]  }
0x2b: {  	s6 =	sld [smem:$0x3FA8]  }
0x2c: {  	s7 =	sld [smem:$0x3FA9]  }
0x2d: {  	s3 =	simm.s32 $0x108;
	s8 =	sld [smem:$0x3FAA]  }
0x2e: {  	s3 =	simm.s32 @!p0 $0x1082;
	s9 =	sld [smem:$0x3FAB]  }
0x2f: {  	lr =	sadd.s32 s0, s3;
	s0 =	sld [smem:$0x3FA2]  }
0x30: {  	s3 =	sld [smem:$0x3FA5]  }
0x31: {  	[smem:$0x3FAE] =	sst s10  }
0x32: {  	s10 =	sld [smem:$0x3FAC];
	_ =	sdelay $0x3  }
0x33: {  	p0 =	seq.s32 s10, $0x1;
	s10 =	sld [smem:$0x3FAE];
	_ =	sdelay $0x3  }
0x34: {  	[smem:$0x3FAE] =	sst s10  }
0x35: {  	s10 =	sld [smem:$0x3FAD];
	_ =	sdelay $0x3  }
0x36: {  	p1 =	seq.s32 s10, $0x1;
	s10 =	sld [smem:$0x3FAE];
	_ =	sdelay $0x3  }
0x37: {  	[smem:$0x3FAE] =	sst s10  }
0x38: {  	s10 =	sld [smem:$0x3FAF]  }
0x39: {  	_ = 	snop;
	(pc) =	sbr.ind lr, $3  }
0x3a: {  	_ = 	snop  }
0x3b: {  	_ = 	snop  }
0x3c: {  	p2 =	seq.s32 s10, $0x1;
	s10 =	sld [smem:$0x3FAE]  }
0x3d: {  	_ =	shalt  }
0x3e: {  	_ =	shalt  }
0x3f: {  	_ =	shalt  }
0x40: {  	_ =	shalt  }
0x41: {  	_ =	shalt  }
0x42: {  	_ =	shalt  }
0x43: {  	_ =	shalt  }
0x44: {  	_ =	shalt  }
0x45: {  	_ =	shalt  }
0x46: {  	_ =	shalt  }
0x47: {  	_ =	shalt  }
0x48: {  	_ =	shalt  }
0x49: {  	_ =	shalt  }
0x4a: {  	_ =	shalt  }
0x4b: {  	_ =	shalt  }
0x4c: {  	_ =	shalt  }
0x4d: {  	_ =	shalt  }
0x4e: {  	_ =	shalt  }
0x4f: {  	_ =	shalt  }
0x50: {  	_ =	shalt  }
0x51: {  	_ =	shalt  }
0x52: {  	_ =	shalt  }
0x53: {  	_ =	shalt  }
0x54: {  	_ =	shalt  }
0x55: {  	_ =	shalt  }
0x56: {  	_ =	shalt  }
0x57: {  	_ =	shalt  }
0x58: {  	_ =	shalt  }
0x59: {  	_ =	shalt  }
0x5a: {  	_ =	shalt  }
0x5b: {  	_ =	shalt  }
0x5c: {  	_ =	shalt  }
0x5d: {  	_ =	shalt  }
0x5e: {  	_ =	shalt  }
0x5f: {  	_ =	shalt  }
0x60: {  	_ =	shalt  }
0x61: {  	_ =	shalt  }
0x62: {  	_ =	shalt  }
0x63: {  	_ =	shalt  }
0x64: {  	_ =	shalt  }
0x65: {  	_ =	shalt  }
0x66: {  	_ =	shalt  }
0x67: {  	_ =	shalt  }
0x68: {  	_ =	shalt  }
0x69: {  	_ =	shalt  }
0x6a: {  	_ =	shalt  }
0x6b: {  	_ =	shalt  }
0x6c: {  	_ =	shalt  }
0x6d: {  	_ =	shalt  }
0x6e: {  	_ =	shalt  }
0x6f: {  	_ =	shalt  }
0x70: {  	_ =	shalt  }
0x71: {  	_ =	shalt  }
0x72: {  	_ =	shalt  }
0x73: {  	_ =	shalt  }
0x74: {  	_ =	shalt  }
0x75: {  	_ =	shalt  }
0x76: {  	_ =	shalt  }
0x77: {  	_ =	shalt  }
0x78: {  	_ =	shalt  }
0x79: {  	_ =	shalt  }
0x7a: {  	_ =	shalt  }
0x7b: {  	_ =	shalt  }
0x7c: {  	_ =	shalt  }
0x7d: {  	_ =	shalt  }
0x7e: {  	_ =	shalt  }
0x7f: {  	_ =	shalt  }
0x80: {  	_ =	shalt  }
0x81: {  	_ =	shalt  }
0x82: {  	_ =	shalt  }
0x83: {  	_ =	shalt  }
0x84: {  	_ =	shalt  }
0x85: {  	_ =	shalt  }
0x86: {  	_ =	shalt  }
0x87: {  	_ =	shalt  }
.Lfunc_end0:
.L_simem_size_0:
called_computation.1_lowered:
.L_overlay_start_0:
0x88: {  	s2 =	sld [smem:$0x3FD9]  }
0x89: {  	s3 =	sld [smem:$0x3FFE];
	_ =	sdelay $0x1  }
0x8a: {  	s1 =	srdreg.scid  }
0x8b: {  	s0 =	sand.u32 $0x1, s1  }
0x8c: {  	s16 =	sshll.u32 s0, $0xA;
	s2 =	sadd.s32 s3, s2  }
0x8d: {  	s2 =	sadd.s32 s2, s16  }
0x8e: {  	[smem:$0x3FBA] =	sst s2  }
0x8f: {  	_ = 	snop  }
0x90: {  	(tm) =	ssettm $0x1  }
0x91: {  	s17 =	sld [smem:$0x3FFB];
	_ =	sdelay $0x3  }
0x92: {  	_ =	strace s17  }
0x93: {  	s2 =	sld [smem:$0x3FFC];
	_ =	sdelay $0x3  }
0x94: {  	_ =	strace s2  }
0x95: {  	s2 =	sld [smem:$0x3FFD];
	_ =	sdelay $0x3  }
0x96: {  	_ =	strace s2  }
0x97: {  	_ =	strace $0x8FFFFFFF  }
0x98: {  	s18 =	sld [smem:$0x3FDB];
	_ =	sdelay $0x1  }
0x99: {  	s19 =	simm.s32 $_scs_section_size  }
0x9a: {  	s4 =	simm.s32 $_size__tile_overlayer_lowered;
	s5 =	simm.s32 $_tile_overlayer_lowered  }
0x9b: {  	s22 =	simm.s32 $0x1BFF;
	s21 =	sshll.u32 s5, $0x1;
	s2 =	sadd.s32 s19, s18  }
0x9c: {  	s6 =	simm.s32 $0x0;
	s20 =	sshll.u32 s4, $0x1;
	s4 =	sadd.s32 s21, s2  }
0x9d: {  	[timem:s6], [sflag:s22] =	dma.local [hbm:s4], s20  }
0x9e: {  	_ =	swait.ge [sflag:s22], s20  }
0x9f: {  	s3 =	ssub.s32 $0x0, s20;
	[sflag:s22] =	ssyncset.done $0x0  }
0xa0: {  	[sflag:s22] =	ssyncadd.s32 s3;
	_ =	sdelay $0x1  }
0xa1: {  	s23 =	simm.s32 $0x1B8B  }
0xa2: {  	_ =	swait.ge [sflag:s23], $0x1  }
0xa3: {  	[sflag:s23] =	ssyncset.done $0x0  }
0xa4: {  	s25 =	simm.s32 $0x1B8E;
	s24 =	sld [smem:$0x3FFE];
	[sflag:s23] =	ssyncadd.s32 $0xFFFFFFFF  }
0xa5: {  	s26 =	simm.s32 $execute0_lowered;
	[smem:$0x3FD2] =	sst s25  }
0xa6: {  	s4 =	sshll.u32 s26, $0x1;
	_ =	strace $0x80000049;
	[dreg:$0x1] =	wrdreg $0xFFFFFFFF  }
0xa7: {  	s28 =	simm.s32 $_size_execute0_lowered;
	s2 =	sadd.s32 s2, s4;
	[dreg:$0x0] =	wrdreg $0x0  }
0xa8: {  	s4 =	sshll.u32 s28, $0x1;
	[dreg:$0x2] =	wrdreg s2  }
0xa9: {  	[dreg:$0x3] =	wrdreg s4  }
0xaa: {  	[dreg:$0x4] =	wrdreg $0xC0  }
0xab: {  	_ =	task [dreg:s6], $0x5FFFF  }
0xac: {  	[dreg:$0x1] =	wrdreg $0xFFFFFFFF  }
0xad: {  	[dreg:$0x0] =	wrdreg $0x60  }
0xae: {  	[dreg:$0x2] =	wrdreg s24  }
0xaf: {  	[dreg:$0x3] =	wrdreg $0x82000  }
0xb0: {  	[dreg:$0x4] =	wrdreg $0x9  }
0xb1: {  	_ =	task.clear_ibuf [dreg:s6], $0x5FFFF;
	_ =	strace $0x90000049  }
0xb2: {  	s29 =	simm.s32 $0x9;
	_ =	strace $0x8000004B  }
0xb3: {  	_ =	swait.ge [sflag:s29], $0x1  }
0xb4: {  	[sflag:s29] =	ssyncadd.s32 $0xFFFFFFFF  }
0xb5: {  	_ =	strace $0x9000004B  }
0xb6: {  	_ =	sfence  }
0xb7: {  	s30 =	sld [smem:$0x0];
	_ =	sdelay $0x2  }
0xb8: {  	s31 =	sshll.u32 s1, $0xD;
	s1 =	sshrl.u32 s1, $0x2  }
0xb9: {  	s3 =	sand.u32 $0x4000, s31;
	s1 =	sadd.s32 s1, s30  }
0xba: {  	s0 =	sor.u32 s3, s0;
	s1 =	sshll.u32 s1, $0x11  }
0xbb: {  	s0 =	sor.u32 s1, s0  }
0xbc: {  	s0 =	sadd.s32 $0x8F2B, s0  }
0xbd: {  	[sflag:s0] =	ssyncadd.remote.s32 $0x1  }
0xbe: {  	_ =	sfence.sel $0xFFFF  }
0xbf: {  	[dreg:$0x0] =	wrdreg $0xFFFFFFFF;
	(pc) =	sbr.abs _section_cstart, $3  }
0xc0: {  	[dreg:$0x1] =	wrdreg $0xFFFFFFFF  }
0xc1: {  	_ =	task.clear_ibuf [dreg:s6], $0x2FFFF;
	_ =	strace $0x9FFFFFFF  }
0xc2: {  	(tm) =	ssettm $0x7FFFFFFF  }
0xc3: {  	_ =	shalt  }
tec
execute0_lowered:
.L_overlay_start_1:
0x0: {  	(tag) =	ssettag $0x1  }
0x1: {  	s0 =	rddreg [dreg:$0x0]  }
0x2: {  	s1 =	rddreg [dreg:$0x1]  }
0x3: {  	s2 =	simm.s32 $0x0;
	s5 =	srdreg.scid;
	s21 =	stileid.u32  }
0x4: {  	s28 =	simm.s32 $0x80;
	s29 =	simm.s32 $0x180;
	s30 =	simm.s32 $0x3  }
0x5: {  	s31 =	simm.s32 $0x1;
	[smem:$0x7FF] =	sst s2;
	s3 =	sadd.s32 $0x3600, s0  }
0x6: {  	s4 =	sadd.s32 $0x2A800, s0;
	s10 =	sadd.s32 $0x34800, s0;
	s7 =	smul.u32 $0x50000, s21  }
0x7: {  	s0 =	sadd.s32 $0x3E800, s0;
	s11 =	sand.u32 $0x1, s5;
	s12 =	smul.u32 $0x14000, s21  }
0x8: {  	_ =	strace $0x8000004A;
	s5 =	ssub.s32 $0x2, s11;
	s19 =	smul.u32 $0x140000, s11  }
0x9: {  	s6 =	sshll.u32 s11, $0x4;
	s11 =	smul.u32 $0x28000, s11;
	s8 =	sshrl.u32 s5, $0x1  }
0xa: {  	s6 =	sor.u32 s21, s6;
	s23 =	sshrl.u32 s7, $0x2;
	s14 =	sadd.s32 $0x4000, s12  }
0xb: {  	s16 =	sadd.s32 $0x8000, s12;
	s17 =	sadd.s32 $0xC000, s12;
	s18 =	sadd.s32 $0x10000, s12  }
0xc: {  	s13 =	ssub.s32 s5, s8;
	s22 =	smul.u32 $0x2800, s6;
	s5 =	sadd.s32 s23, s1  }
0xd: {  	s6 =	sadd.s32 s14, s1;
	s7 =	sadd.s32 s16, s1;
	s8 =	sadd.s32 s17, s1  }
0xe: {  	s9 =	sadd.s32 s18, s1;
	s12 =	sadd.s32 s12, s19;
	s26 =	sadd.s32 s19, s14  }
0xf: {  	s17 =	sadd.s32 s19, s17;
	s23 =	smul.u32 $0x2800, s21;
	s12 =	sshrl.u32 s12, $0x3  }
0x10: {  	s18 =	sadd.s32 s19, s18;
	s15 =	sshrl.u32 s22, $0x3;
	s12 =	sadd.s32 s0, s12  }
0x11: {  	s22 =	sadd.s32 s19, s16;
	s11 =	sadd.s32 s23, s11;
	s19 =	smax.u32 s13, $0x1  }
0x12: {  	s20 =	sadd.s32 s4, s15;
	s24 =	sadd.s32 s10, s15;
	[dreg:$0x7] =	wrdreg s12  }
0x13: {  	s15 =	sor.u32 $0x10, s15;
	s12 =	sshrl.u32 s22, $0x3;
	[dreg:$0x3] =	wrdreg s20  }
0x14: {  	[dreg:$0x4] =	wrdreg s24;
	s25 =	sadd.s32 s4, s15;
	s15 =	sadd.s32 s10, s15  }
0x15: {  	s20 =	sshrl.u32 s26, $0x3;
	s16 =	sadd.s32 s0, s12;
	s24 =	sshrl.u32 s17, $0x3  }
0x16: {  	s26 =	sor.u32 $0x180, s11;
	s11 =	sor.u32 $0x100, s11;
	[dreg:$0x5] =	wrdreg s25  }
0x17: {  	[dreg:$0x6] =	wrdreg s15;
	s15 =	sadd.s32 s0, s20;
	s17 =	sadd.s32 s0, s24  }
0x18: {  	s25 =	sshrl.u32 s18, $0x3;
	s11 =	sshrl.u32 s11, $0x3;
	s24 =	simm.s32 $0x200  }
0x19: {  	s18 =	sadd.s32 s0, s25;
	s0 =	sshrl.u32 s26, $0x3;
	s22 =	sadd.s32 s11, s10  }
0x1a: {  	s23 =	sadd.s32 s11, s4;
	s25 =	simm.s32 $0x5;
	s26 =	simm.s32 $0x100  }
0x1b: {  	s11 =	simm.s32 $0x0;
	s20 =	sadd.s32 s0, s10;
	s21 =	sadd.s32 s0, s4  }
0x1c: {  	v0 =	vimm.f32 $0.0e+00;
	s0 =	simm.s32 $0x4;
	s4 =	simm.s32 $0x4200;
	s10 =	simm.s32 $0x2  }
.LBB2_1:
0x1d: {  	s12 =	simm.s32 $0x0;
	s13 =	simm.s32 $0x200  }
.LBB2_2:
0x1e: {  	p0 =	sne.s32 s13, $0xFE00;
	[tilespmem:s12+$0x270] =	vst v0  }
0x1f: {  	[tilespmem:s12+$0x200] =	vst v0  }
0x20: {  	[tilespmem:s12+$0x210] =	vst v0  }
.Ltmp0:
0x21: {  	[tilespmem:s12+$0x220] =	vst v0;
	(pc) =	sbr.rel @p0 .LBB2_2-.Ltmp0, $4  }
0x22: {  	[tilespmem:s12+$0x230] =	vst v0  }
0x23: {  	[tilespmem:s12+$0x240] =	vst v0  }
0x24: {  	[tilespmem:s12+$0x250] =	vst v0  }
0x25: {  	[tilespmem:s12+$0x260] =	vst v0;
	s12 =	sshra.s32 s13, $0x2;
	s13 =	sadd.s32 $0x200, s13  }
0x26: {  	[tilespmem:s12+$0x270] =	vst v0  }
0x27: {  	[tilespmem:s12+$0x200] =	vst v0  }
0x28: {  	[tilespmem:s12+$0x210] =	vst v0  }
0x29: {  	[tilespmem:s12+$0x220] =	vst v0  }
0x2a: {  	[tilespmem:s12+$0x230] =	vst v0  }
0x2b: {  	[tilespmem:s12+$0x240] =	vst v0  }
0x2c: {  	[tilespmem:s12+$0x250] =	vst v0  }
0x2d: {  	[tilespmem:s12+$0x260] =	vst v0  }
0x2e: {  	[spmem:s5] =	stream.linear.scatter [tilespmem:s24], [sflag:$0x5], $0x4000, $0x38;
	[tilespmem:$0x1C200] =	vst v63  }
0x2f: {  	_ =	swait.ge [sflag:s25], $0x4000  }
0x30: {  	[sflag:s25] =	ssyncset.done $0x0  }
0x31: {  	[sflag:s25] =	ssyncadd.s32 $0xFFFFC000  }
0x32: {  	[spmem:s6] =	stream.linear.scatter [tilespmem:s24], [sflag:$0x5], $0x4000, $0x38;
	[tilespmem:$0x1C200] =	vst v63  }
0x33: {  	_ =	swait.ge [sflag:s25], $0x4000  }
0x34: {  	[sflag:s25] =	ssyncset.done $0x0  }
0x35: {  	[sflag:s25] =	ssyncadd.s32 $0xFFFFC000  }
0x36: {  	[spmem:s7] =	stream.linear.scatter [tilespmem:s24], [sflag:$0x5], $0x4000, $0x38;
	[tilespmem:$0x1C200] =	vst v63  }
0x37: {  	_ =	swait.ge [sflag:s25], $0x4000  }
0x38: {  	[sflag:s25] =	ssyncset.done $0x0  }
0x39: {  	[sflag:s25] =	ssyncadd.s32 $0xFFFFC000  }
0x3a: {  	[spmem:s8] =	stream.linear.scatter [tilespmem:s24], [sflag:$0x5], $0x4000, $0x38;
	[tilespmem:$0x1C200] =	vst v63  }
0x3b: {  	_ =	swait.ge [sflag:s25], $0x4000  }
0x3c: {  	[sflag:s25] =	ssyncset.done $0x0  }
0x3d: {  	[sflag:s25] =	ssyncadd.s32 $0xFFFFC000  }
0x3e: {  	[spmem:s9] =	stream.linear.scatter [tilespmem:s24], [sflag:$0x5], $0x4000, $0x38;
	[tilespmem:$0x1C200] =	vst v63  }
0x3f: {  	_ =	swait.ge [sflag:s25], $0x4000  }
0x40: {  	[sflag:s25] =	ssyncset.done $0x0  }
0x41: {  	[sflag:s25] =	ssyncadd.s32 $0xFFFFC000  }
0x42: {  	[bflag:$0x0] =	sbarrier.arrive $0xFFFF  }
0x43: {  	s12 =	simm.s32 $0x0;
	s13 =	rddreg [dreg:$0x3]  }
0x44: {  	[tilespmem:s12], [sflag:$0x3] =	stream.linear.gather [hbm4b:s13+s12], $0x80, $0x38;
	[tilespmem:$0x1C200] =	vst v63  }
0x45: {  	s14 =	rddreg [dreg:$0x4]  }
0x46: {  	[tilespmem:s26], [sflag:$0x3] =	stream.linear.gather [hbm4b:s14+s12], $0x80, $0x38;
	[tilespmem:$0x1C200] =	vst v63  }
0x47: {  	s14 =	rddreg [dreg:$0x5]  }
0x48: {  	[tilespmem:s28], [sflag:$0x4] =	stream.linear.gather [hbm4b:s14+s12], $0x80, $0x38;
	[tilespmem:$0x1C200] =	vst v63  }
0x49: {  	s14 =	rddreg [dreg:$0x6]  }
0x4a: {  	[tilespmem:s29], [sflag:$0x4] =	stream.linear.gather [hbm4b:s14+s12], $0x80, $0x38;
	[tilespmem:$0x1C200] =	vst v63  }
0x4b: {  	_ =	swait.ge [sflag:s30], $0x80  }
0x4c: {  	[sflag:s30] =	ssyncset.done $0x0  }
0x4d: {  	[sflag:s30] =	ssyncadd.s32 $0xFFFFFF80  }
0x4e: {  	_ =	swait.ge [sflag:s30], $0x80  }
0x4f: {  	[sflag:s30] =	ssyncset.done $0x0  }
0x50: {  	[sflag:s30] =	ssyncadd.s32 $0xFFFFFF80  }
0x51: {  	[tilespmem:s24], [sflag:$0x1] =	stream.indirect.gather [hbm4b:s3+s28], $0x80, s12, s28, $0xb8;
	[tilespmem:$0x1C200] =	vst v63  }
0x52: {  	_ =	swait.ge [sflag:s31], $0x4000  }
0x53: {  	[sflag:s31] =	ssyncset.done $0x0  }
0x54: {  	[sflag:s31] =	ssyncadd.s32 $0xFFFFC000  }
0x55: {  	_ =	swait.ge [sflag:s0], $0x80  }
0x56: {  	[sflag:s0] =	ssyncset.done $0x0  }
0x57: {  	[sflag:s0] =	ssyncadd.s32 $0xFFFFFF80  }
0x58: {  	_ =	swait.ge [sflag:s0], $0x80  }
0x59: {  	[sflag:s0] =	ssyncset.done $0x0  }
0x5a: {  	[sflag:s0] =	ssyncadd.s32 $0xFFFFFF80  }
0x5b: {  	[tilespmem:s4], [sflag:$0x2] =	stream.indirect.gather [hbm4b:s3+s28], $0x80, s28, s28, $0xb8;
	[tilespmem:$0x1C200] =	vst v63  }
0x5c: {  	_ = 	snop  }
0x5d: {  	[spmem:s1] =	stream.indirect.scatter.add.f32 [tilespmem:s24], [sflag:$0x5], $0x80, s26, s28, $0xb8;
	[tilespmem:$0x1C200] =	vst v63  }
0x5e: {  	_ =	swait.ge [sflag:s25], $0x4000  }
0x5f: {  	[sflag:s25] =	ssyncset.done $0x0  }
0x60: {  	s14 =	sadd.s32 $0x0, s23;
	[sflag:s25] =	ssyncadd.s32 $0xFFFFC000  }
0x61: {  	[tilespmem:s2], [sflag:$0x3] =	stream.linear.gather [hbm4b:s14+s2], $0x80, $0x38;
	[tilespmem:$0x1C200] =	vst v63  }
0x62: {  	s13 =	sadd.s32 $0x0, s22  }
0x63: {  	[tilespmem:s26], [sflag:$0x3] =	stream.linear.gather [hbm4b:s13+s2], $0x80, $0x38;
	[tilespmem:$0x1C200] =	vst v63  }
0x64: {  	_ =	swait.ge [sflag:s10], $0x4000  }
0x65: {  	[sflag:s10] =	ssyncset.done $0x0  }
0x66: {  	[sflag:s10] =	ssyncadd.s32 $0xFFFFC000  }
0x67: {  	_ =	swait.ge [sflag:s30], $0x80  }
0x68: {  	[sflag:s30] =	ssyncset.done $0x0  }
0x69: {  	[sflag:s30] =	ssyncadd.s32 $0xFFFFFF80  }
0x6a: {  	_ =	swait.ge [sflag:s30], $0x80  }
0x6b: {  	[sflag:s30] =	ssyncset.done $0x0  }
0x6c: {  	[sflag:s30] =	ssyncadd.s32 $0xFFFFFF80  }
0x6d: {  	[tilespmem:s24], [sflag:$0x1] =	stream.indirect.gather [hbm4b:s3+s28], $0x80, s2, s28, $0xb8;
	[tilespmem:$0x1C200] =	vst v63  }
0x6e: {  	_ = 	snop  }
0x6f: {  	[spmem:s1] =	stream.indirect.scatter.add.f32 [tilespmem:s4], [sflag:$0x5], $0x80, s29, s28, $0xb8;
	[tilespmem:$0x1C200] =	vst v63  }
0x70: {  	_ =	swait.ge [sflag:s25], $0x4000  }
0x71: {  	s12 =	simm.s32 $0x20;
	[sflag:s25] =	ssyncset.done $0x0  }
0x72: {  	s14 =	sadd.s32 $0x0, s21;
	s13 =	sadd.s32 $0x0, s20;
	[sflag:s25] =	ssyncadd.s32 $0xFFFFC000  }
0x73: {  	[tilespmem:s28], [sflag:$0x4] =	stream.linear.gather [hbm4b:s14+s2], $0x80, $0x38;
	[tilespmem:$0x1C200] =	vst v63  }
.LBB2_4:
0x74: {  	[tilespmem:s29], [sflag:$0x4] =	stream.linear.gather [hbm4b:s13+s2], $0x80, $0x38;
	[tilespmem:$0x1C200] =	vst v63  }
0x75: {  	s13 =	smov.u32 s12  }
0x76: {  	p0 =	sne.s32 s12, $0x4C0;
	s12 =	sadd.s32 $0x20, s12;
	_ =	swait.ge [sflag:s31], $0x4000  }
0x77: {  	[sflag:s31] =	ssyncset.done $0x0  }
0x78: {  	[sflag:s31] =	ssyncadd.s32 $0xFFFFC000  }
0x79: {  	_ =	swait.ge [sflag:s0], $0x80  }
0x7a: {  	[sflag:s0] =	ssyncset.done $0x0  }
0x7b: {  	[sflag:s0] =	ssyncadd.s32 $0xFFFFFF80  }
0x7c: {  	_ =	swait.ge [sflag:s0], $0x80  }
0x7d: {  	[sflag:s0] =	ssyncset.done $0x0  }
0x7e: {  	[sflag:s0] =	ssyncadd.s32 $0xFFFFFF80  }
0x7f: {  	[tilespmem:s4], [sflag:$0x2] =	stream.indirect.gather [hbm4b:s3+s28], $0x80, s28, s28, $0xb8;
	[tilespmem:$0x1C200] =	vst v63  }
0x80: {  	_ = 	snop  }
0x81: {  	[spmem:s1] =	stream.indirect.scatter.add.f32 [tilespmem:s24], [sflag:$0x5], $0x80, s26, s28, $0xb8;
	[tilespmem:$0x1C200] =	vst v63  }
0x82: {  	_ =	swait.ge [sflag:s25], $0x4000  }
0x83: {  	[sflag:s25] =	ssyncset.done $0x0  }
0x84: {  	s14 =	sadd.s32 s13, s23;
	[sflag:s25] =	ssyncadd.s32 $0xFFFFC000  }
0x85: {  	[tilespmem:s2], [sflag:$0x3] =	stream.linear.gather [hbm4b:s14+s2], $0x80, $0x38;
	[tilespmem:$0x1C200] =	vst v63  }
0x86: {  	s14 =	sadd.s32 s13, s22  }
0x87: {  	[tilespmem:s26], [sflag:$0x3] =	stream.linear.gather [hbm4b:s14+s2], $0x80, $0x38;
	[tilespmem:$0x1C200] =	vst v63  }
0x88: {  	_ =	swait.ge [sflag:s10], $0x4000  }
0x89: {  	[sflag:s10] =	ssyncset.done $0x0  }
0x8a: {  	[sflag:s10] =	ssyncadd.s32 $0xFFFFC000  }
0x8b: {  	_ =	swait.ge [sflag:s30], $0x80  }
0x8c: {  	[sflag:s30] =	ssyncset.done $0x0  }
0x8d: {  	[sflag:s30] =	ssyncadd.s32 $0xFFFFFF80  }
0x8e: {  	_ =	swait.ge [sflag:s30], $0x80  }
0x8f: {  	[sflag:s30] =	ssyncset.done $0x0  }
0x90: {  	[sflag:s30] =	ssyncadd.s32 $0xFFFFFF80  }
0x91: {  	[tilespmem:s24], [sflag:$0x1] =	stream.indirect.gather [hbm4b:s3+s28], $0x80, s2, s28, $0xb8;
	[tilespmem:$0x1C200] =	vst v63  }
0x92: {  	_ = 	snop  }
0x93: {  	[spmem:s1] =	stream.indirect.scatter.add.f32 [tilespmem:s4], [sflag:$0x5], $0x80, s29, s28, $0xb8;
	[tilespmem:$0x1C200] =	vst v63  }
.Ltmp1:
0x94: {  	_ =	swait.ge [sflag:s25], $0x4000;
	(pc) =	sbr.rel @p0 .LBB2_4-.Ltmp1, $4  }
0x95: {  	[sflag:s25] =	ssyncset.done $0x0  }
0x96: {  	s14 =	sadd.s32 s13, s21;
	[sflag:s25] =	ssyncadd.s32 $0xFFFFC000  }
0x97: {  	[tilespmem:s28], [sflag:$0x4] =	stream.linear.gather [hbm4b:s14+s2], $0x80, $0x38;
	[tilespmem:$0x1C200] =	vst v63  }
0x98: {  	s13 =	sadd.s32 s13, s20  }
0x99: {  	[tilespmem:s29], [sflag:$0x4] =	stream.linear.gather [hbm4b:s13+s2], $0x80, $0x38;
	[tilespmem:$0x1C200] =	vst v63  }
0x9a: {  	_ =	swait.ge [sflag:s31], $0x4000  }
0x9b: {  	[sflag:s31] =	ssyncset.done $0x0  }
0x9c: {  	[sflag:s31] =	ssyncadd.s32 $0xFFFFC000  }
0x9d: {  	_ =	swait.ge [sflag:s0], $0x80  }
0x9e: {  	[sflag:s0] =	ssyncset.done $0x0  }
0x9f: {  	[sflag:s0] =	ssyncadd.s32 $0xFFFFFF80  }
0xa0: {  	_ =	swait.ge [sflag:s0], $0x80  }
0xa1: {  	[sflag:s0] =	ssyncset.done $0x0  }
0xa2: {  	[sflag:s0] =	ssyncadd.s32 $0xFFFFFF80  }
0xa3: {  	[tilespmem:s4], [sflag:$0x2] =	stream.indirect.gather [hbm4b:s3+s28], $0x80, s28, s28, $0xb8;
	[tilespmem:$0x1C200] =	vst v63  }
0xa4: {  	_ = 	snop  }
0xa5: {  	[spmem:s1] =	stream.indirect.scatter.add.f32 [tilespmem:s24], [sflag:$0x5], $0x80, s26, s28, $0xb8;
	[tilespmem:$0x1C200] =	vst v63  }
0xa6: {  	_ =	swait.ge [sflag:s25], $0x4000  }
0xa7: {  	[sflag:s25] =	ssyncset.done $0x0  }
0xa8: {  	[sflag:s25] =	ssyncadd.s32 $0xFFFFC000  }
0xa9: {  	_ =	swait.ge [sflag:s10], $0x4000  }
0xaa: {  	[sflag:s10] =	ssyncset.done $0x0  }
0xab: {  	[sflag:s10] =	ssyncadd.s32 $0xFFFFC000  }
0xac: {  	[spmem:s1] =	stream.indirect.scatter.add.f32 [tilespmem:s4], [sflag:$0x5], $0x80, s29, s28, $0xb8;
	[tilespmem:$0x1C200] =	vst v63  }
0xad: {  	_ =	swait.ge [sflag:s25], $0x4000  }
0xae: {  	[sflag:s25] =	ssyncset.done $0x0  }
0xaf: {  	[sflag:s25] =	ssyncadd.s32 $0xFFFFC000  }
0xb0: {  	[bflag:$0x0] =	sbarrier.arrive $0xFFFF  }
0xb1: {  	[tilespmem:s24], [sflag:$0x5] =	stream.linear.gather [spmem:s5], $0x4000, $0x38;
	[tilespmem:$0x1C200] =	vst v63  }
0xb2: {  	_ =	swait.ge [sflag:s25], $0x4000  }
0xb3: {  	[sflag:s25] =	ssyncset.done $0x0  }
0xb4: {  	s12 =	rddreg [dreg:$0x7];
	[sflag:s25] =	ssyncadd.s32 $0xFFFFC000  }
0xb5: {  	[hbm4b:s12+s2] =	stream.linear.scatter [tilespmem:s24], [sflag:$0x1], $0x4000, $0x38;
	[tilespmem:$0x1C200] =	vst v63  }
0xb6: {  	_ = 	snop  }
0xb7: {  	[tilespmem:s4], [sflag:$0x5] =	stream.linear.gather [spmem:s6], $0x4000, $0x38;
	[tilespmem:$0x1C200] =	vst v63  }
0xb8: {  	_ =	swait.ge [sflag:s25], $0x4000  }
0xb9: {  	[sflag:s25] =	ssyncset.done $0x0  }
0xba: {  	[sflag:s25] =	ssyncadd.s32 $0xFFFFC000  }
0xbb: {  	[hbm4b:s15+s2] =	stream.linear.scatter [tilespmem:s4], [sflag:$0x2], $0x4000, $0x38;
	[tilespmem:$0x1C200] =	vst v63  }
0xbc: {  	_ =	swait.ge [sflag:s31], $0x4000  }
0xbd: {  	[sflag:s31] =	ssyncset.done $0x0  }
0xbe: {  	[sflag:s31] =	ssyncadd.s32 $0xFFFFC000  }
0xbf: {  	[tilespmem:s24], [sflag:$0x5] =	stream.linear.gather [spmem:s7], $0x4000, $0x38;
	[tilespmem:$0x1C200] =	vst v63  }
0xc0: {  	_ =	swait.ge [sflag:s25], $0x4000  }
0xc1: {  	[sflag:s25] =	ssyncset.done $0x0  }
0xc2: {  	[sflag:s25] =	ssyncadd.s32 $0xFFFFC000  }
0xc3: {  	[hbm4b:s16+s2] =	stream.linear.scatter [tilespmem:s24], [sflag:$0x1], $0x4000, $0x38;
	[tilespmem:$0x1C200] =	vst v63  }
0xc4: {  	_ =	swait.ge [sflag:s10], $0x4000  }
0xc5: {  	[sflag:s10] =	ssyncset.done $0x0  }
0xc6: {  	[sflag:s10] =	ssyncadd.s32 $0xFFFFC000  }
0xc7: {  	[tilespmem:s4], [sflag:$0x5] =	stream.linear.gather [spmem:s8], $0x4000, $0x38;
	[tilespmem:$0x1C200] =	vst v63  }
0xc8: {  	_ =	swait.ge [sflag:s25], $0x4000  }
0xc9: {  	[sflag:s25] =	ssyncset.done $0x0  }
0xca: {  	[sflag:s25] =	ssyncadd.s32 $0xFFFFC000  }
0xcb: {  	[hbm4b:s17+s2] =	stream.linear.scatter [tilespmem:s4], [sflag:$0x2], $0x4000, $0x38;
	[tilespmem:$0x1C200] =	vst v63  }
0xcc: {  	_ =	swait.ge [sflag:s31], $0x4000  }
0xcd: {  	[sflag:s31] =	ssyncset.done $0x0  }
0xce: {  	[sflag:s31] =	ssyncadd.s32 $0xFFFFC000  }
0xcf: {  	[tilespmem:s24], [sflag:$0x5] =	stream.linear.gather [spmem:s9], $0x4000, $0x38;
	[tilespmem:$0x1C200] =	vst v63  }
0xd0: {  	_ =	swait.ge [sflag:s25], $0x4000  }
0xd1: {  	[sflag:s25] =	ssyncset.done $0x0  }
0xd2: {  	s11 =	sadd.s32 $0x1, s11;
	[sflag:s25] =	ssyncadd.s32 $0xFFFFC000  }
0xd3: {  	[hbm4b:s18+s2] =	stream.linear.scatter [tilespmem:s24], [sflag:$0x1], $0x4000, $0x38;
	[tilespmem:$0x1C200] =	vst v63  }
0xd4: {  	p0 =	sne.s32 s11, s19;
	_ =	swait.ge [sflag:s10], $0x4000  }
.Ltmp2:
0xd5: {  	[sflag:s10] =	ssyncset.done $0x0;
	(pc) =	sbr.rel @p0 .LBB2_1-.Ltmp2, $4  }
0xd6: {  	[sflag:s10] =	ssyncadd.s32 $0xFFFFC000  }
0xd7: {  	_ =	swait.ge [sflag:s31], $0x4000  }
0xd8: {  	[sflag:s31] =	ssyncset.done $0x0  }
0xd9: {  	[sflag:s31] =	ssyncadd.s32 $0xFFFFC000  }
0xda: {  	_ =	sfence.sel $0x180000  }
0xdb: {  	[bflag:$0x0] =	sbarrier.arrive $0xFFFF  }
0xdc: {  	_ =	strace $0x9000004A  }
0xdd: {  	s0 =	stileid.u32;
	[bflag:$0x2] =	sbarrier.arrive $0xFFFF  }
0xde: {  	p0 =	sne.s32 s0, $0x0;
	s0 =	rddreg [dreg:$0x2]  }
0xdf: {  	s0 =	sadd.s32 @!p0 $0x100000, s0  }
0xe0: {  	[sflag:s0] =	ssyncadd.tile.s32 @!p0 $0x1;
	_ =	shalt  }
.Lfunc_end2:
_tile_overlayer_lowered:
.L_overlay_start_2:
0xe1: {  	(tag) =	ssettag $0x2  }
0xe2: {  	s0 =	rddreg [dreg:$0x0];
	s2 =	stileid.u32  }
0xe3: {  	s1 =	rddreg [dreg:$0x1];
	p0 =	sne.s32 s2, $0x0  }
0xe4: {  	s3 =	rddreg [dreg:$0x2];
	[bflag:$0x3] =	sbarrier.arrive $0xFFFF;
	s2 =	simm.s32 @!p0 $0x1C05  }
0xe5: {  	[timem:s3], [sflag:s2] =	dma.local @!p0 [hbm:s0], s1  }
0xe6: {  	s0 =	simm.s32 @!p0 $0x5  }
0xe7: {  	_ =	swait.ge @!p0 [sflag:s0], s1  }
0xe8: {  	s1 =	ssub.s32 @!p0 $0x0, s1;
	[sflag:s0] =	ssyncset.done @!p0 $0x0  }
0xe9: {  	[sflag:s0] =	ssyncadd.s32 @!p0 s1  }
0xea: {  	[bflag:$0x3] =	sbarrier.arrive $0xFFFF  }
0xeb: {  	_ =	shalt  }

// kernel: kernel.7.cloned.1.call-start
scs
__scs_entry_jumppad:
0x0: {  	(pc) =	sbr.rel $0x88, $3  }
0x1: {  	(tag) =	ssettag $0x0;
	lr =	simm.s32 $0x1  }
0x2: {  	[smem:$0x3F93] =	sst lr;
	_ =	strace $0xD0000000  }
0x3: {  	_ = 	snop  }
0x4: {  	_ = 	snop  }
0x5: {  	_ = 	snop  }
0x6: {  	_ = 	snop  }
0x7: {  	_ = 	snop  }
__scs_overlays_trampoline_lowered:
0x8: {  	[smem:$0x3FA2] =	sst s0  }
0x9: {  	[smem:$0x3FA3] =	sst s1  }
0xa: {  	[smem:$0x3FA4] =	sst s2  }
0xb: {  	[smem:$0x3FA5] =	sst s3  }
0xc: {  	[smem:$0x3FA6] =	sst s4  }
0xd: {  	[smem:$0x3FA7] =	sst s5  }
0xe: {  	[smem:$0x3FA8] =	sst s6  }
0xf: {  	[smem:$0x3FA9] =	sst s7  }
0x10: {  	[smem:$0x3FAA] =	sst s8  }
0x11: {  	[smem:$0x3FAB] =	sst s9;
	s0 =	simm.s32 @!p0 $0x0  }
0x12: {  	s1 =	sld [smem:$0x3F91];
	s0 =	simm.s32 @p0 $0x1  }
0x13: {  	[smem:$0x3FAC] =	sst s0;
	s0 =	simm.s32 @!p1 $0x0  }
0x14: {  	s2 =	sld [smem:$0x3F90];
	s0 =	simm.s32 @p1 $0x1  }
0x15: {  	[smem:$0x3FAD] =	sst s0;
	s0 =	simm.s32 @!p2 $0x0  }
0x16: {  	s3 =	sld [smem:$0x3FDB];
	s0 =	simm.s32 @p2 $0x1  }
0x17: {  	s4 =	simm.s32 $0x1BF5;
	[smem:$0x3FAF] =	sst s0  }
0x18: {  	s0 =	sld [smem:$0x3F92];
	_ =	swait.ge [sflag:s4], $0x0  }
0x19: {  	s7 =	sld [smem:$0x3F93]  }
0x1a: {  	s8 =	sadd.s32 $0xFFFFE003, lr  }
0x1b: {  	s9 =	sadd.s32 $0xFFFFFEF7, lr;
	s5 =	simm.s32 $0xFFFFFFFF;
	p2 =	slt.u32 s8, $0xFFFFF086  }
0x1c: {  	p1 =	slt.u32 s9, $0xF7A;
	s5 =	simm.s32 @!p2 $0x0  }
0x1d: {  	s5 =	simm.s32 @p1 $0x1;
	p0 =	seq.s32 s7, s2  }
0x1e: {  	s7 =	smul.u32 @!p0 $0xF7A, s2;
	p2 =	seq.s32 @!p0 s5, $0x0  }
0x1f: {  	s9 =	smul.u32 $0xF7A, s1;
	s8 =	simm.s32 @!p0 $0x1BF5;
	p2 =	por !p2, p0  }
0x20: {  	[sflag:s8] =	ssyncset.s32 @!p0 $0xFFFFF086;
	s6 =	sadd.s32 @!p0 s3, s7;
	s7 =	simm.s32 @!p0 $0x108  }
0x21: {  	s3 =	sadd.s32 s3, s9;
	s6 =	sadd.s32 @!p0 $0x88, s6;
	s7 =	simm.s32 @p2 $0x1082  }
0x22: {  	[simem:s7], [sflag:s8] =	dma.local @!p0 [hbm:s6], $0xF7A  }
0x23: {  	s9 =	sor.u32 $0xD0000000, s2;
	s6 =	simm.s32 $0x108;
	_ =	swait.ge @!p0 [sflag:s8], $0x0  }
0x24: {  	s3 =	sadd.s32 $0x88, s3;
	s6 =	simm.s32 @!p1 $0x1082;
	[sflag:s4] =	ssyncset.s32 $0xFFFFF086  }
0x25: {  	[simem:s6], [sflag:s4] =	dma.local [hbm:s3], $0xF7A  }
0x26: {  	[smem:$0x3F93] =	sst s1;
	(tag) =	ssettag s2;
	_ =	strace s9  }
0x27: {  	s1 =	sld [smem:$0x3FA3]  }
0x28: {  	s2 =	sld [smem:$0x3FA4]  }
0x29: {  	s4 =	sld [smem:$0x3FA6]  }
0x2a: {  	p0 =	seq.s32 s5, $0x0;
	s5 =	sld [smem:$0x3FA7]  }
0x2b: {  	s6 =	sld [smem:$0x3FA8]  }
0x2c: {  	s7 =	sld [smem:$0x3FA9]  }
0x2d: {  	s3 =	simm.s32 $0x108;
	s8 =	sld [smem:$0x3FAA]  }
0x2e: {  	s3 =	simm.s32 @!p0 $0x1082;
	s9 =	sld [smem:$0x3FAB]  }
0x2f: {  	lr =	sadd.s32 s0, s3;
	s0 =	sld [smem:$0x3FA2]  }
0x30: {  	s3 =	sld [smem:$0x3FA5]  }
0x31: {  	[smem:$0x3FAE] =	sst s10  }
0x32: {  	s10 =	sld [smem:$0x3FAC];
	_ =	sdelay $0x3  }
0x33: {  	p0 =	seq.s32 s10, $0x1;
	s10 =	sld [smem:$0x3FAE];
	_ =	sdelay $0x3  }
0x34: {  	[smem:$0x3FAE] =	sst s10  }
0x35: {  	s10 =	sld [smem:$0x3FAD];
	_ =	sdelay $0x3  }
0x36: {  	p1 =	seq.s32 s10, $0x1;
	s10 =	sld [smem:$0x3FAE];
	_ =	sdelay $0x3  }
0x37: {  	[smem:$0x3FAE] =	sst s10  }
0x38: {  	s10 =	sld [smem:$0x3FAF]  }
0x39: {  	_ = 	snop;
	(pc) =	sbr.ind lr, $3  }
0x3a: {  	_ = 	snop  }
0x3b: {  	_ = 	snop  }
0x3c: {  	p2 =	seq.s32 s10, $0x1;
	s10 =	sld [smem:$0x3FAE]  }
0x3d: {  	_ =	shalt  }
0x3e: {  	_ =	shalt  }
0x3f: {  	_ =	shalt  }
0x40: {  	_ =	shalt  }
0x41: {  	_ =	shalt  }
0x42: {  	_ =	shalt  }
0x43: {  	_ =	shalt  }
0x44: {  	_ =	shalt  }
0x45: {  	_ =	shalt  }
0x46: {  	_ =	shalt  }
0x47: {  	_ =	shalt  }
0x48: {  	_ =	shalt  }
0x49: {  	_ =	shalt  }
0x4a: {  	_ =	shalt  }
0x4b: {  	_ =	shalt  }
0x4c: {  	_ =	shalt  }
0x4d: {  	_ =	shalt  }
0x4e: {  	_ =	shalt  }
0x4f: {  	_ =	shalt  }
0x50: {  	_ =	shalt  }
0x51: {  	_ =	shalt  }
0x52: {  	_ =	shalt  }
0x53: {  	_ =	shalt  }
0x54: {  	_ =	shalt  }
0x55: {  	_ =	shalt  }
0x56: {  	_ =	shalt  }
0x57: {  	_ =	shalt  }
0x58: {  	_ =	shalt  }
0x59: {  	_ =	shalt  }
0x5a: {  	_ =	shalt  }
0x5b: {  	_ =	shalt  }
0x5c: {  	_ =	shalt  }
0x5d: {  	_ =	shalt  }
0x5e: {  	_ =	shalt  }
0x5f: {  	_ =	shalt  }
0x60: {  	_ =	shalt  }
0x61: {  	_ =	shalt  }
0x62: {  	_ =	shalt  }
0x63: {  	_ =	shalt  }
0x64: {  	_ =	shalt  }
0x65: {  	_ =	shalt  }
0x66: {  	_ =	shalt  }
0x67: {  	_ =	shalt  }
0x68: {  	_ =	shalt  }
0x69: {  	_ =	shalt  }
0x6a: {  	_ =	shalt  }
0x6b: {  	_ =	shalt  }
0x6c: {  	_ =	shalt  }
0x6d: {  	_ =	shalt  }
0x6e: {  	_ =	shalt  }
0x6f: {  	_ =	shalt  }
0x70: {  	_ =	shalt  }
0x71: {  	_ =	shalt  }
0x72: {  	_ =	shalt  }
0x73: {  	_ =	shalt  }
0x74: {  	_ =	shalt  }
0x75: {  	_ =	shalt  }
0x76: {  	_ =	shalt  }
0x77: {  	_ =	shalt  }
0x78: {  	_ =	shalt  }
0x79: {  	_ =	shalt  }
0x7a: {  	_ =	shalt  }
0x7b: {  	_ =	shalt  }
0x7c: {  	_ =	shalt  }
0x7d: {  	_ =	shalt  }
0x7e: {  	_ =	shalt  }
0x7f: {  	_ =	shalt  }
0x80: {  	_ =	shalt  }
0x81: {  	_ =	shalt  }
0x82: {  	_ =	shalt  }
0x83: {  	_ =	shalt  }
0x84: {  	_ =	shalt  }
0x85: {  	_ =	shalt  }
0x86: {  	_ =	shalt  }
0x87: {  	_ =	shalt  }
.Lfunc_end0:
.L_simem_size_0:
called_computation_lowered:
.L_overlay_start_0:
0x88: {  	s2 =	sld [smem:$0x3FD9]  }
0x89: {  	s3 =	sld [smem:$0x3FFE];
	_ =	sdelay $0x1  }
0x8a: {  	s1 =	srdreg.scid  }
0x8b: {  	s0 =	sand.u32 $0x1, s1  }
0x8c: {  	s16 =	sshll.u32 s0, $0xA;
	s2 =	sadd.s32 s3, s2  }
0x8d: {  	s2 =	sadd.s32 s2, s16  }
0x8e: {  	[smem:$0x3FBA] =	sst s2  }
0x8f: {  	_ = 	snop  }
0x90: {  	(tm) =	ssettm $0x1  }
0x91: {  	s17 =	sld [smem:$0x3FFB];
	_ =	sdelay $0x3  }
0x92: {  	_ =	strace s17  }
0x93: {  	s2 =	sld [smem:$0x3FFC];
	_ =	sdelay $0x3  }
0x94: {  	_ =	strace s2  }
0x95: {  	s2 =	sld [smem:$0x3FFD];
	_ =	sdelay $0x3  }
0x96: {  	_ =	strace s2  }
0x97: {  	_ =	strace $0x8FFFFFFF  }
0x98: {  	s18 =	sld [smem:$0x3FDB];
	_ =	sdelay $0x1  }
0x99: {  	s19 =	simm.s32 $_scs_section_size  }
0x9a: {  	s4 =	simm.s32 $_size__tile_overlayer_lowered;
	s5 =	simm.s32 $_tile_overlayer_lowered  }
0x9b: {  	s22 =	simm.s32 $0x1BFF;
	s21 =	sshll.u32 s5, $0x1;
	s2 =	sadd.s32 s19, s18  }
0x9c: {  	s6 =	simm.s32 $0x0;
	s20 =	sshll.u32 s4, $0x1;
	s4 =	sadd.s32 s21, s2  }
0x9d: {  	[timem:s6], [sflag:s22] =	dma.local [hbm:s4], s20  }
0x9e: {  	_ =	swait.ge [sflag:s22], s20  }
0x9f: {  	s3 =	ssub.s32 $0x0, s20;
	[sflag:s22] =	ssyncset.done $0x0  }
0xa0: {  	[sflag:s22] =	ssyncadd.s32 s3;
	_ =	sdelay $0x1  }
0xa1: {  	s23 =	simm.s32 $0x1B8B  }
0xa2: {  	_ =	swait.ge [sflag:s23], $0x1  }
0xa3: {  	[sflag:s23] =	ssyncset.done $0x0  }
0xa4: {  	s25 =	simm.s32 $0x1B8E;
	s24 =	sld [smem:$0x3FFE];
	[sflag:s23] =	ssyncadd.s32 $0xFFFFFFFF  }
0xa5: {  	s26 =	simm.s32 $execute0_lowered;
	[smem:$0x3FD2] =	sst s25  }
0xa6: {  	s4 =	sshll.u32 s26, $0x1;
	_ =	strace $0x80000046;
	[dreg:$0x1] =	wrdreg $0xFFFFFFFF  }
0xa7: {  	s28 =	simm.s32 $_size_execute0_lowered;
	s2 =	sadd.s32 s2, s4;
	[dreg:$0x0] =	wrdreg $0x0  }
0xa8: {  	s4 =	sshll.u32 s28, $0x1;
	[dreg:$0x2] =	wrdreg s2  }
0xa9: {  	[dreg:$0x3] =	wrdreg s4  }
0xaa: {  	[dreg:$0x4] =	wrdreg $0xC0  }
0xab: {  	_ =	task [dreg:s6], $0x5FFFF  }
0xac: {  	[dreg:$0x1] =	wrdreg $0xFFFFFFFF  }
0xad: {  	[dreg:$0x0] =	wrdreg $0x60  }
0xae: {  	[dreg:$0x2] =	wrdreg s24  }
0xaf: {  	[dreg:$0x3] =	wrdreg $0xAA000  }
0xb0: {  	[dreg:$0x4] =	wrdreg $0x9  }
0xb1: {  	_ =	task.clear_ibuf [dreg:s6], $0x5FFFF;
	_ =	strace $0x90000046  }
0xb2: {  	s29 =	simm.s32 $0x9;
	_ =	strace $0x80000048  }
0xb3: {  	_ =	swait.ge [sflag:s29], $0x1  }
0xb4: {  	[sflag:s29] =	ssyncadd.s32 $0xFFFFFFFF  }
0xb5: {  	_ =	strace $0x90000048  }
0xb6: {  	_ =	sfence  }
0xb7: {  	s30 =	sld [smem:$0x0];
	_ =	sdelay $0x2  }
0xb8: {  	s31 =	sshll.u32 s1, $0xD;
	s1 =	sshrl.u32 s1, $0x2  }
0xb9: {  	s3 =	sand.u32 $0x4000, s31;
	s1 =	sadd.s32 s1, s30  }
0xba: {  	s0 =	sor.u32 s3, s0;
	s1 =	sshll.u32 s1, $0x11  }
0xbb: {  	s0 =	sor.u32 s1, s0  }
0xbc: {  	s0 =	sadd.s32 $0x8F2B, s0  }
0xbd: {  	[sflag:s0] =	ssyncadd.remote.s32 $0x1  }
0xbe: {  	_ =	sfence.sel $0xFFFF  }
0xbf: {  	[dreg:$0x0] =	wrdreg $0xFFFFFFFF;
	(pc) =	sbr.abs _section_cstart, $3  }
0xc0: {  	[dreg:$0x1] =	wrdreg $0xFFFFFFFF  }
0xc1: {  	_ =	task.clear_ibuf [dreg:s6], $0x2FFFF;
	_ =	strace $0x9FFFFFFF  }
0xc2: {  	(tm) =	ssettm $0x7FFFFFFF  }
0xc3: {  	_ =	shalt  }
tec
execute0_lowered:
.L_overlay_start_1:
0x0: {  	(tag) =	ssettag $0x1  }
0x1: {  	s0 =	srdreg.scid;
	s1 =	rddreg [dreg:$0x0]  }
0x2: {  	s21 =	stileid.u32;
	s2 =	rddreg [dreg:$0x1]  }
0x3: {  	s3 =	simm.s32 $0x0;
	s28 =	simm.s32 $0x100;
	s29 =	simm.s32 $0x80  }
0x4: {  	s30 =	simm.s32 $0x180;
	s31 =	simm.s32 $0x3;
	s0 =	sand.u32 $0x1, s0  }
0x5: {  	s4 =	sshrl.u32 s21, $0x3;
	[smem:$0x7FF] =	sst s3;
	s20 =	smul.u32 $0x50000, s21  }
0x6: {  	s5 =	sshll.u32 s21, $0x7;
	s11 =	sadd.s32 $0x2A800, s1;
	s14 =	smul.u32 $0x14000, s21  }
0x7: {  	s12 =	sadd.s32 $0x34800, s1;
	s13 =	sadd.s32 $0x3E800, s1;
	s10 =	smul.u32 $0x28000, s0  }
0x8: {  	s4 =	smul.u32 $0x14000, s4;
	_ =	strace $0x80000047;
	s5 =	sand.u32 $0x380, s5  }
0x9: {  	s19 =	ssub.s32 $0x2, s0;
	s8 =	sshll.u32 s0, $0x4;
	s0 =	smul.u32 $0x140000, s0  }
0xa: {  	s7 =	sshrl.u32 s19, $0x1;
	s22 =	sor.u32 s21, s8;
	s17 =	sadd.s32 $0x4000, s14  }
0xb: {  	s18 =	sadd.s32 $0x8000, s14;
	s6 =	sadd.s32 s10, s4;
	s4 =	sadd.s32 $0x3600, s1  }
0xc: {  	s15 =	ssub.s32 s19, s7;
	s16 =	smul.u32 $0x2800, s22;
	s19 =	sadd.s32 $0xC000, s14  }
0xd: {  	s7 =	sadd.s32 s18, s2;
	s25 =	sadd.s32 s0, s17;
	s26 =	sadd.s32 s0, s18  }
0xe: {  	s5 =	sor.u32 s5, s6;
	s6 =	sshrl.u32 s20, $0x2;
	s8 =	sadd.s32 s19, s2  }
0xf: {  	s20 =	sadd.s32 $0x10000, s14;
	s14 =	sadd.s32 s14, s0;
	s18 =	sshrl.u32 s26, $0x3  }
0x10: {  	s19 =	sadd.s32 s0, s19;
	s5 =	sshrl.u32 s5, $0x3;
	s9 =	sadd.s32 s20, s2  }
0x11: {  	s16 =	sshrl.u32 s16, $0x3;
	s14 =	sshrl.u32 s14, $0x3;
	s0 =	sadd.s32 s0, s20  }
0x12: {  	s20 =	smax.u32 s15, $0x1;
	s1 =	sadd.s32 s5, s1;
	s5 =	sadd.s32 s6, s2  }
0x13: {  	s6 =	sadd.s32 s17, s2;
	s22 =	sadd.s32 s11, s16;
	s23 =	sadd.s32 s12, s16  }
0x14: {  	s16 =	sor.u32 $0x10, s16;
	s14 =	sadd.s32 s13, s14;
	[dreg:$0x3] =	wrdreg s22  }
0x15: {  	s0 =	sshrl.u32 s0, $0x3;
	[dreg:$0x4] =	wrdreg s23;
	s24 =	sadd.s32 s11, s16  }
0x16: {  	s16 =	sadd.s32 s12, s16;
	[dreg:$0x7] =	wrdreg s14;
	s22 =	smul.u32 $0x2800, s21  }
0x17: {  	s23 =	sshrl.u32 s19, $0x3;
	s19 =	sadd.s32 $0x8E800, s1;
	[dreg:$0x5] =	wrdreg s24  }
0x18: {  	s1 =	simm.s32 $0x1;
	[dreg:$0x6] =	wrdreg s16;
	s16 =	sshrl.u32 s25, $0x3  }
0x19: {  	s17 =	sadd.s32 s13, s23;
	s14 =	sadd.s32 s13, s16;
	s16 =	sadd.s32 s13, s18  }
0x1a: {  	s10 =	sadd.s32 s22, s10;
	s18 =	sadd.s32 s13, s0;
	s13 =	simm.s32 $0x0  }
0x1b: {  	[dreg:$0x8] =	wrdreg s14;
	s24 =	sor.u32 $0x180, s10;
	s25 =	sor.u32 $0x100, s10  }
0x1c: {  	s10 =	simm.s32 $0x4200;
	s0 =	sshrl.u32 s24, $0x3;
	s26 =	sshrl.u32 s25, $0x3  }
0x1d: {  	s25 =	simm.s32 $0x200;
	s21 =	sadd.s32 s0, s12;
	s22 =	sadd.s32 s0, s11  }
0x1e: {  	s23 =	sadd.s32 s26, s12;
	s24 =	sadd.s32 s26, s11;
	s26 =	simm.s32 $0x5  }
0x1f: {  	v0 =	vimm.f32 $0.0e+00;
	v1 =	vimm.f32 $1.000000000e+00;
	s0 =	simm.s32 $0x4;
	s11 =	simm.s32 $0x8200;
	s12 =	simm.s32 $0x2  }
.LBB2_1:
0x20: {  	s14 =	simm.s32 $0x0;
	s15 =	simm.s32 $0x200  }
.LBB2_2:
0x21: {  	p0 =	sne.s32 s15, $0xFE00;
	[tilespmem:s14+$0x270] =	vst v0  }
0x22: {  	[tilespmem:s14+$0x200] =	vst v0  }
0x23: {  	[tilespmem:s14+$0x210] =	vst v0  }
.Ltmp0:
0x24: {  	[tilespmem:s14+$0x220] =	vst v0;
	(pc) =	sbr.rel @p0 .LBB2_2-.Ltmp0, $4  }
0x25: {  	[tilespmem:s14+$0x230] =	vst v0  }
0x26: {  	[tilespmem:s14+$0x240] =	vst v0  }
0x27: {  	[tilespmem:s14+$0x250] =	vst v0  }
0x28: {  	[tilespmem:s14+$0x260] =	vst v0;
	s14 =	sshra.s32 s15, $0x2;
	s15 =	sadd.s32 $0x200, s15  }
0x29: {  	[tilespmem:s14+$0x270] =	vst v0  }
0x2a: {  	[tilespmem:s14+$0x200] =	vst v0  }
0x2b: {  	[tilespmem:s14+$0x210] =	vst v0  }
0x2c: {  	[tilespmem:s14+$0x220] =	vst v0  }
0x2d: {  	[tilespmem:s14+$0x230] =	vst v0  }
0x2e: {  	[tilespmem:s14+$0x240] =	vst v0  }
0x2f: {  	[tilespmem:s14+$0x250] =	vst v0  }
0x30: {  	[tilespmem:s14+$0x260] =	vst v0;
	s14 =	simm.s32 $0x40;
	s15 =	simm.s32 $0x0  }
.LBB2_4:
0x31: {  	p0 =	sne.s32 s14, $0x9FC0;
	[tilespmem:s15+$0x8200] =	vst v0;
	s15 =	smov.u32 s14;
	s14 =	sadd.s32 $0x40, s14  }
.Ltmp1:
0x32: {  	(pc) =	sbr.rel @p0 .LBB2_4-.Ltmp1, $2  }
0x33: {  	_ =	sdelay $0x2  }
0x34: {  	s15 =	sshra.s32 s15, $0x2  }
0x35: {  	[tilespmem:s15+$0x8200] =	vst v0  }
0x36: {  	[spmem:s5] =	stream.linear.scatter [tilespmem:s25], [sflag:$0x5], $0x4000, $0x38;
	[tilespmem:$0x1EA00] =	vst v63  }
0x37: {  	_ =	swait.ge [sflag:s26], $0x4000  }
0x38: {  	[sflag:s26] =	ssyncset.done $0x0  }
0x39: {  	[sflag:s26] =	ssyncadd.s32 $0xFFFFC000  }
0x3a: {  	[spmem:s6] =	stream.linear.scatter [tilespmem:s25], [sflag:$0x5], $0x4000, $0x38;
	[tilespmem:$0x1EA00] =	vst v63  }
0x3b: {  	_ =	swait.ge [sflag:s26], $0x4000  }
0x3c: {  	[sflag:s26] =	ssyncset.done $0x0  }
0x3d: {  	[sflag:s26] =	ssyncadd.s32 $0xFFFFC000  }
0x3e: {  	[spmem:s7] =	stream.linear.scatter [tilespmem:s25], [sflag:$0x5], $0x4000, $0x38;
	[tilespmem:$0x1EA00] =	vst v63  }
0x3f: {  	_ =	swait.ge [sflag:s26], $0x4000  }
0x40: {  	[sflag:s26] =	ssyncset.done $0x0  }
0x41: {  	[sflag:s26] =	ssyncadd.s32 $0xFFFFC000  }
0x42: {  	[spmem:s8] =	stream.linear.scatter [tilespmem:s25], [sflag:$0x5], $0x4000, $0x38;
	[tilespmem:$0x1EA00] =	vst v63  }
0x43: {  	_ =	swait.ge [sflag:s26], $0x4000  }
0x44: {  	[sflag:s26] =	ssyncset.done $0x0  }
0x45: {  	[sflag:s26] =	ssyncadd.s32 $0xFFFFC000  }
0x46: {  	[spmem:s9] =	stream.linear.scatter [tilespmem:s25], [sflag:$0x5], $0x4000, $0x38;
	[tilespmem:$0x1EA00] =	vst v63  }
0x47: {  	_ =	swait.ge [sflag:s26], $0x4000  }
0x48: {  	[sflag:s26] =	ssyncset.done $0x0  }
0x49: {  	[sflag:s26] =	ssyncadd.s32 $0xFFFFC000  }
0x4a: {  	[bflag:$0x0] =	sbarrier.arrive $0xFFFF  }
0x4b: {  	s14 =	simm.s32 $0x0;
	s15 =	rddreg [dreg:$0x3]  }
0x4c: {  	[tilespmem:s14], [sflag:$0x3] =	stream.linear.gather [hbm4b:s15+s14], $0x80, $0x38;
	[tilespmem:$0x1EA00] =	vst v63  }
0x4d: {  	s15 =	rddreg [dreg:$0x4]  }
0x4e: {  	[tilespmem:s28], [sflag:$0x3] =	stream.linear.gather [hbm4b:s15+s14], $0x80, $0x38;
	[tilespmem:$0x1EA00] =	vst v63  }
0x4f: {  	s15 =	rddreg [dreg:$0x5]  }
0x50: {  	[tilespmem:s29], [sflag:$0x4] =	stream.linear.gather [hbm4b:s15+s14], $0x80, $0x38;
	[tilespmem:$0x1EA00] =	vst v63  }
0x51: {  	s15 =	rddreg [dreg:$0x6]  }
0x52: {  	[tilespmem:s30], [sflag:$0x4] =	stream.linear.gather [hbm4b:s15+s14], $0x80, $0x38;
	[tilespmem:$0x1EA00] =	vst v63  }
0x53: {  	_ =	swait.ge [sflag:s31], $0x80  }
0x54: {  	[sflag:s31] =	ssyncset.done $0x0  }
0x55: {  	[sflag:s31] =	ssyncadd.s32 $0xFFFFFF80  }
0x56: {  	_ =	swait.ge [sflag:s31], $0x80  }
0x57: {  	[sflag:s31] =	ssyncset.done $0x0  }
0x58: {  	[sflag:s31] =	ssyncadd.s32 $0xFFFFFF80  }
0x59: {  	[tilespmem:s25], [sflag:$0x1] =	stream.indirect.gather [hbm4b:s4+s29], $0x80, s14, s29, $0xb8;
	[tilespmem:$0x1EA00] =	vst v63  }
.LBB2_6:
0x5a: {  	_ =	swait.ge [sflag:s1], $0x4000  }
0x5b: {  	[sflag:s1] =	ssyncset.done $0x0  }
0x5c: {  	[sflag:s1] =	ssyncadd.s32 $0xFFFFC000  }
0x5d: {  	_ =	swait.ge [sflag:s0], $0x80  }
0x5e: {  	[sflag:s0] =	ssyncset.done $0x0  }
0x5f: {  	[sflag:s0] =	ssyncadd.s32 $0xFFFFFF80  }
0x60: {  	_ =	swait.ge [sflag:s0], $0x80  }
0x61: {  	[sflag:s0] =	ssyncset.done $0x0  }
0x62: {  	[sflag:s0] =	ssyncadd.s32 $0xFFFFFF80  }
0x63: {  	[tilespmem:s10], [sflag:$0x2] =	stream.indirect.gather [hbm4b:s4+s29], $0x80, s29, s29, $0xb8;
	[tilespmem:$0x1EA00] =	vst v63  }
0x64: {  	_ = 	snop  }
0x65: {  	[spmem:s2] =	stream.indirect.scatter.add.f32 [tilespmem:s25], [sflag:$0x5], $0x80, s28, s29, $0xb8;
	[tilespmem:$0x1EA00] =	vst v63  }
0x66: {  	_ =	swait.ge [sflag:s26], $0x4000  }
0x67: {  	[sflag:s26] =	ssyncset.done $0x0  }
0x68: {  	[sflag:s26] =	ssyncadd.s32 $0xFFFFC000  }
0x69: {  	v2 =	vld [tilespmem:$0x100];
	_ =	sdelay $0x7  }
0x6a: {  	[tilespmem:v2+s11+$0x0] =	vst.idx.add.f32.msk $0xffff, v1  }
0x6b: {  	v2 =	vld [tilespmem:$0x110];
	_ =	sdelay $0x7  }
0x6c: {  	[tilespmem:v2+s11+$0x0] =	vst.idx.add.f32.msk $0xffff, v1  }
0x6d: {  	v2 =	vld [tilespmem:$0x120];
	_ =	sdelay $0x7  }
0x6e: {  	[tilespmem:v2+s11+$0x0] =	vst.idx.add.f32.msk $0xffff, v1  }
0x6f: {  	v2 =	vld [tilespmem:$0x130];
	_ =	sdelay $0x7  }
0x70: {  	[tilespmem:v2+s11+$0x0] =	vst.idx.add.f32.msk $0xffff, v1  }
0x71: {  	v2 =	vld [tilespmem:$0x140];
	_ =	sdelay $0x7  }
0x72: {  	[tilespmem:v2+s11+$0x0] =	vst.idx.add.f32.msk $0xffff, v1  }
0x73: {  	v2 =	vld [tilespmem:$0x150];
	_ =	sdelay $0x7  }
0x74: {  	[tilespmem:v2+s11+$0x0] =	vst.idx.add.f32.msk $0xffff, v1  }
0x75: {  	v2 =	vld [tilespmem:$0x160];
	_ =	sdelay $0x7  }
0x76: {  	[tilespmem:v2+s11+$0x0] =	vst.idx.add.f32.msk $0xffff, v1  }
0x77: {  	v2 =	vld [tilespmem:$0x170];
	_ =	sdelay $0x7  }
0x78: {  	s15 =	sadd.s32 s14, s24;
	[tilespmem:v2+s11+$0x0] =	vst.idx.add.f32.msk $0xffff, v1  }
0x79: {  	[tilespmem:s3], [sflag:$0x3] =	stream.linear.gather [hbm4b:s15+s3], $0x80, $0x38;
	[tilespmem:$0x1EA00] =	vst v63  }
0x7a: {  	s15 =	sadd.s32 s14, s23  }
0x7b: {  	[tilespmem:s28], [sflag:$0x3] =	stream.linear.gather [hbm4b:s15+s3], $0x80, $0x38;
	[tilespmem:$0x1EA00] =	vst v63  }
0x7c: {  	_ =	swait.ge [sflag:s12], $0x4000  }
0x7d: {  	[sflag:s12] =	ssyncset.done $0x0  }
0x7e: {  	[sflag:s12] =	ssyncadd.s32 $0xFFFFC000  }
0x7f: {  	_ =	swait.ge [sflag:s31], $0x80  }
0x80: {  	[sflag:s31] =	ssyncset.done $0x0  }
0x81: {  	[sflag:s31] =	ssyncadd.s32 $0xFFFFFF80  }
0x82: {  	_ =	swait.ge [sflag:s31], $0x80  }
0x83: {  	[sflag:s31] =	ssyncset.done $0x0  }
0x84: {  	[sflag:s31] =	ssyncadd.s32 $0xFFFFFF80  }
0x85: {  	[tilespmem:s25], [sflag:$0x1] =	stream.indirect.gather [hbm4b:s4+s29], $0x80, s3, s29, $0xb8;
	[tilespmem:$0x1EA00] =	vst v63  }
0x86: {  	_ = 	snop  }
0x87: {  	[spmem:s2] =	stream.indirect.scatter.add.f32 [tilespmem:s10], [sflag:$0x5], $0x80, s30, s29, $0xb8;
	[tilespmem:$0x1EA00] =	vst v63  }
0x88: {  	_ =	swait.ge [sflag:s26], $0x4000  }
0x89: {  	[sflag:s26] =	ssyncset.done $0x0  }
0x8a: {  	[sflag:s26] =	ssyncadd.s32 $0xFFFFC000  }
0x8b: {  	v2 =	vld [tilespmem:$0x180];
	_ =	sdelay $0x7  }
0x8c: {  	[tilespmem:v2+s11+$0x0] =	vst.idx.add.f32.msk $0xffff, v1  }
0x8d: {  	v2 =	vld [tilespmem:$0x190];
	_ =	sdelay $0x7  }
0x8e: {  	[tilespmem:v2+s11+$0x0] =	vst.idx.add.f32.msk $0xffff, v1  }
0x8f: {  	v2 =	vld [tilespmem:$0x1A0];
	_ =	sdelay $0x7  }
0x90: {  	[tilespmem:v2+s11+$0x0] =	vst.idx.add.f32.msk $0xffff, v1  }
0x91: {  	v2 =	vld [tilespmem:$0x1B0];
	_ =	sdelay $0x7  }
0x92: {  	[tilespmem:v2+s11+$0x0] =	vst.idx.add.f32.msk $0xffff, v1  }
0x93: {  	v2 =	vld [tilespmem:$0x1C0];
	_ =	sdelay $0x7  }
0x94: {  	[tilespmem:v2+s11+$0x0] =	vst.idx.add.f32.msk $0xffff, v1  }
0x95: {  	v2 =	vld [tilespmem:$0x1D0];
	_ =	sdelay $0x7  }
0x96: {  	[tilespmem:v2+s11+$0x0] =	vst.idx.add.f32.msk $0xffff, v1  }
0x97: {  	v2 =	vld [tilespmem:$0x1E0];
	_ =	sdelay $0x7  }
0x98: {  	[tilespmem:v2+s11+$0x0] =	vst.idx.add.f32.msk $0xffff, v1  }
0x99: {  	v2 =	vld [tilespmem:$0x1F0];
	_ =	sdelay $0x5  }
0x9a: {  	p0 =	sne.s32 s14, $0x4C0  }
.Ltmp2:
0x9b: {  	_ = 	snop;
	(pc) =	sbr.rel @p0 .LBB2_6-.Ltmp2, $4  }
0x9c: {  	s15 =	sadd.s32 s14, s22;
	[tilespmem:v2+s11+$0x0] =	vst.idx.add.f32.msk $0xffff, v1  }
0x9d: {  	[tilespmem:s29], [sflag:$0x4] =	stream.linear.gather [hbm4b:s15+s3], $0x80, $0x38;
	[tilespmem:$0x1EA00] =	vst v63  }
0x9e: {  	s15 =	sadd.s32 s14, s21;
	s14 =	sadd.s32 $0x20, s14  }
0x9f: {  	[tilespmem:s30], [sflag:$0x4] =	stream.linear.gather [hbm4b:s15+s3], $0x80, $0x38;
	[tilespmem:$0x1EA00] =	vst v63  }
0xa0: {  	_ =	swait.ge [sflag:s1], $0x4000  }
0xa1: {  	[sflag:s1] =	ssyncset.done $0x0  }
0xa2: {  	[sflag:s1] =	ssyncadd.s32 $0xFFFFC000  }
0xa3: {  	_ =	swait.ge [sflag:s0], $0x80  }
0xa4: {  	[sflag:s0] =	ssyncset.done $0x0  }
0xa5: {  	[sflag:s0] =	ssyncadd.s32 $0xFFFFFF80  }
0xa6: {  	_ =	swait.ge [sflag:s0], $0x80  }
0xa7: {  	[sflag:s0] =	ssyncset.done $0x0  }
0xa8: {  	[sflag:s0] =	ssyncadd.s32 $0xFFFFFF80  }
0xa9: {  	[tilespmem:s10], [sflag:$0x2] =	stream.indirect.gather [hbm4b:s4+s29], $0x80, s29, s29, $0xb8;
	[tilespmem:$0x1EA00] =	vst v63  }
0xaa: {  	_ = 	snop  }
0xab: {  	[spmem:s2] =	stream.indirect.scatter.add.f32 [tilespmem:s25], [sflag:$0x5], $0x80, s28, s29, $0xb8;
	[tilespmem:$0x1EA00] =	vst v63  }
0xac: {  	_ =	swait.ge [sflag:s26], $0x4000  }
0xad: {  	[sflag:s26] =	ssyncset.done $0x0  }
0xae: {  	[sflag:s26] =	ssyncadd.s32 $0xFFFFC000  }
0xaf: {  	v2 =	vld [tilespmem:$0x100];
	_ =	sdelay $0x7  }
0xb0: {  	[tilespmem:v2+s11+$0x0] =	vst.idx.add.f32.msk $0xffff, v1  }
0xb1: {  	v2 =	vld [tilespmem:$0x110];
	_ =	sdelay $0x7  }
0xb2: {  	[tilespmem:v2+s11+$0x0] =	vst.idx.add.f32.msk $0xffff, v1  }
0xb3: {  	v2 =	vld [tilespmem:$0x120];
	_ =	sdelay $0x7  }
0xb4: {  	[tilespmem:v2+s11+$0x0] =	vst.idx.add.f32.msk $0xffff, v1  }
0xb5: {  	v2 =	vld [tilespmem:$0x130];
	_ =	sdelay $0x7  }
0xb6: {  	[tilespmem:v2+s11+$0x0] =	vst.idx.add.f32.msk $0xffff, v1  }
0xb7: {  	v2 =	vld [tilespmem:$0x140];
	_ =	sdelay $0x7  }
0xb8: {  	[tilespmem:v2+s11+$0x0] =	vst.idx.add.f32.msk $0xffff, v1  }
0xb9: {  	v2 =	vld [tilespmem:$0x150];
	_ =	sdelay $0x7  }
0xba: {  	[tilespmem:v2+s11+$0x0] =	vst.idx.add.f32.msk $0xffff, v1  }
0xbb: {  	v2 =	vld [tilespmem:$0x160];
	_ =	sdelay $0x7  }
0xbc: {  	[tilespmem:v2+s11+$0x0] =	vst.idx.add.f32.msk $0xffff, v1  }
0xbd: {  	v2 =	vld [tilespmem:$0x170];
	_ =	sdelay $0x7  }
0xbe: {  	[tilespmem:v2+s11+$0x0] =	vst.idx.add.f32.msk $0xffff, v1  }
0xbf: {  	_ =	swait.ge [sflag:s12], $0x4000  }
0xc0: {  	[sflag:s12] =	ssyncset.done $0x0  }
0xc1: {  	[sflag:s12] =	ssyncadd.s32 $0xFFFFC000  }
0xc2: {  	[spmem:s2] =	stream.indirect.scatter.add.f32 [tilespmem:s10], [sflag:$0x5], $0x80, s30, s29, $0xb8;
	[tilespmem:$0x1EA00] =	vst v63  }
0xc3: {  	_ =	swait.ge [sflag:s26], $0x4000  }
0xc4: {  	[sflag:s26] =	ssyncset.done $0x0  }
0xc5: {  	[sflag:s26] =	ssyncadd.s32 $0xFFFFC000  }
0xc6: {  	v2 =	vld [tilespmem:$0x180];
	_ =	sdelay $0x7  }
0xc7: {  	[tilespmem:v2+s11+$0x0] =	vst.idx.add.f32.msk $0xffff, v1  }
0xc8: {  	v2 =	vld [tilespmem:$0x190];
	_ =	sdelay $0x7  }
0xc9: {  	[tilespmem:v2+s11+$0x0] =	vst.idx.add.f32.msk $0xffff, v1  }
0xca: {  	v2 =	vld [tilespmem:$0x1A0];
	_ =	sdelay $0x7  }
0xcb: {  	[tilespmem:v2+s11+$0x0] =	vst.idx.add.f32.msk $0xffff, v1  }
0xcc: {  	v2 =	vld [tilespmem:$0x1B0];
	_ =	sdelay $0x7  }
0xcd: {  	[tilespmem:v2+s11+$0x0] =	vst.idx.add.f32.msk $0xffff, v1  }
0xce: {  	v2 =	vld [tilespmem:$0x1C0];
	_ =	sdelay $0x7  }
0xcf: {  	[tilespmem:v2+s11+$0x0] =	vst.idx.add.f32.msk $0xffff, v1  }
0xd0: {  	v2 =	vld [tilespmem:$0x1D0];
	_ =	sdelay $0x7  }
0xd1: {  	[tilespmem:v2+s11+$0x0] =	vst.idx.add.f32.msk $0xffff, v1  }
0xd2: {  	v2 =	vld [tilespmem:$0x1E0];
	_ =	sdelay $0x7  }
0xd3: {  	[tilespmem:v2+s11+$0x0] =	vst.idx.add.f32.msk $0xffff, v1  }
0xd4: {  	v2 =	vld [tilespmem:$0x1F0];
	_ =	sdelay $0x7  }
0xd5: {  	[tilespmem:v2+s11+$0x0] =	vst.idx.add.f32.msk $0xffff, v1  }
0xd6: {  	[bflag:$0x0] =	sbarrier.arrive $0xFFFF  }
0xd7: {  	[tilespmem:s25], [sflag:$0x5] =	stream.linear.gather [spmem:s5], $0x4000, $0x38;
	[tilespmem:$0x1EA00] =	vst v63  }
0xd8: {  	_ =	swait.ge [sflag:s26], $0x4000  }
0xd9: {  	[sflag:s26] =	ssyncset.done $0x0  }
0xda: {  	s14 =	rddreg [dreg:$0x7];
	[sflag:s26] =	ssyncadd.s32 $0xFFFFC000  }
0xdb: {  	[hbm4b:s14+s3] =	stream.linear.scatter [tilespmem:s25], [sflag:$0x1], $0x4000, $0x38;
	[tilespmem:$0x1EA00] =	vst v63  }
0xdc: {  	_ = 	snop  }
0xdd: {  	[tilespmem:s10], [sflag:$0x5] =	stream.linear.gather [spmem:s6], $0x4000, $0x38;
	[tilespmem:$0x1EA00] =	vst v63  }
0xde: {  	_ =	swait.ge [sflag:s26], $0x4000  }
0xdf: {  	[sflag:s26] =	ssyncset.done $0x0  }
0xe0: {  	s15 =	rddreg [dreg:$0x8];
	[sflag:s26] =	ssyncadd.s32 $0xFFFFC000  }
0xe1: {  	[hbm4b:s15+s3] =	stream.linear.scatter [tilespmem:s10], [sflag:$0x2], $0x4000, $0x38;
	[tilespmem:$0x1EA00] =	vst v63  }
0xe2: {  	_ =	swait.ge [sflag:s1], $0x4000  }
0xe3: {  	[sflag:s1] =	ssyncset.done $0x0  }
0xe4: {  	[sflag:s1] =	ssyncadd.s32 $0xFFFFC000  }
0xe5: {  	[tilespmem:s25], [sflag:$0x5] =	stream.linear.gather [spmem:s7], $0x4000, $0x38;
	[tilespmem:$0x1EA00] =	vst v63  }
0xe6: {  	_ =	swait.ge [sflag:s26], $0x4000  }
0xe7: {  	[sflag:s26] =	ssyncset.done $0x0  }
0xe8: {  	[sflag:s26] =	ssyncadd.s32 $0xFFFFC000  }
0xe9: {  	[hbm4b:s16+s3] =	stream.linear.scatter [tilespmem:s25], [sflag:$0x1], $0x4000, $0x38;
	[tilespmem:$0x1EA00] =	vst v63  }
0xea: {  	_ =	swait.ge [sflag:s12], $0x4000  }
0xeb: {  	[sflag:s12] =	ssyncset.done $0x0  }
0xec: {  	[sflag:s12] =	ssyncadd.s32 $0xFFFFC000  }
0xed: {  	[tilespmem:s10], [sflag:$0x5] =	stream.linear.gather [spmem:s8], $0x4000, $0x38;
	[tilespmem:$0x1EA00] =	vst v63  }
0xee: {  	_ =	swait.ge [sflag:s26], $0x4000  }
0xef: {  	[sflag:s26] =	ssyncset.done $0x0  }
0xf0: {  	[sflag:s26] =	ssyncadd.s32 $0xFFFFC000  }
0xf1: {  	[hbm4b:s17+s3] =	stream.linear.scatter [tilespmem:s10], [sflag:$0x2], $0x4000, $0x38;
	[tilespmem:$0x1EA00] =	vst v63  }
0xf2: {  	_ =	swait.ge [sflag:s1], $0x4000  }
0xf3: {  	[sflag:s1] =	ssyncset.done $0x0  }
0xf4: {  	[sflag:s1] =	ssyncadd.s32 $0xFFFFC000  }
0xf5: {  	[tilespmem:s25], [sflag:$0x5] =	stream.linear.gather [spmem:s9], $0x4000, $0x38;
	[tilespmem:$0x1EA00] =	vst v63  }
0xf6: {  	_ =	swait.ge [sflag:s26], $0x4000  }
0xf7: {  	[sflag:s26] =	ssyncset.done $0x0  }
0xf8: {  	[sflag:s26] =	ssyncadd.s32 $0xFFFFC000  }
0xf9: {  	[hbm4b:s18+s3] =	stream.linear.scatter [tilespmem:s25], [sflag:$0x1], $0x4000, $0x38;
	[tilespmem:$0x1EA00] =	vst v63  }
0xfa: {  	s15 =	simm.s32 $0x400  }
0xfb: {  	[hbm4b:s19+s29] =	stream.strided.scatter [tilespmem:s11], [sflag:$0x5], $0x2800, s15, s29, $0x38;
	[tilespmem:$0x1EA00] =	vst v63  }
0xfc: {  	_ =	swait.ge [sflag:s26], $0x2800  }
0xfd: {  	[sflag:s26] =	ssyncset.done $0x0  }
0xfe: {  	s13 =	sadd.s32 $0x1, s13;
	[sflag:s26] =	ssyncadd.s32 $0xFFFFD800  }
0xff: {  	p0 =	sne.s32 s13, s20;
	_ =	swait.ge [sflag:s12], $0x4000  }
.Ltmp3:
0x100: {  	[sflag:s12] =	ssyncset.done $0x0;
	(pc) =	sbr.rel @p0 .LBB2_1-.Ltmp3, $4  }
0x101: {  	[sflag:s12] =	ssyncadd.s32 $0xFFFFC000  }
0x102: {  	_ =	swait.ge [sflag:s1], $0x4000  }
0x103: {  	[sflag:s1] =	ssyncset.done $0x0  }
0x104: {  	[sflag:s1] =	ssyncadd.s32 $0xFFFFC000  }
0x105: {  	_ =	sfence.sel $0x180000  }
0x106: {  	[bflag:$0x0] =	sbarrier.arrive $0xFFFF  }
0x107: {  	_ =	strace $0x90000047  }
0x108: {  	s0 =	stileid.u32;
	[bflag:$0x2] =	sbarrier.arrive $0xFFFF  }
0x109: {  	p0 =	sne.s32 s0, $0x0;
	s0 =	rddreg [dreg:$0x2]  }
0x10a: {  	s0 =	sadd.s32 @!p0 $0x100000, s0  }
0x10b: {  	[sflag:s0] =	ssyncadd.tile.s32 @!p0 $0x1;
	_ =	shalt  }
.Lfunc_end2:
_tile_overlayer_lowered:
.L_overlay_start_2:
0x10c: {  	(tag) =	ssettag $0x2  }
0x10d: {  	s0 =	rddreg [dreg:$0x0];
	s2 =	stileid.u32  }
0x10e: {  	s1 =	rddreg [dreg:$0x1];
	p0 =	sne.s32 s2, $0x0  }
0x10f: {  	s3 =	rddreg [dreg:$0x2];
	[bflag:$0x3] =	sbarrier.arrive $0xFFFF;
	s2 =	simm.s32 @!p0 $0x1C05  }
0x110: {  	[timem:s3], [sflag:s2] =	dma.local @!p0 [hbm:s0], s1  }
0x111: {  	s0 =	simm.s32 @!p0 $0x5  }
0x112: {  	_ =	swait.ge @!p0 [sflag:s0], s1  }
0x113: {  	s1 =	ssub.s32 @!p0 $0x0, s1;
	[sflag:s0] =	ssyncset.done @!p0 $0x0  }
0x114: {  	[sflag:s0] =	ssyncadd.s32 @!p0 s1  }
0x115: {  	[bflag:$0x3] =	sbarrier.arrive $0xFFFF  }
0x116: {  	_ =	shalt  }

</sc_bundles>
